<compile_context>
chip_gen: v7x
topology: tpu7x:2x2x1
jax: 0.10.2.dev20260603
libtpu: 0.0.44.dev20260713+nightly
codegen_flags: <defaults>
</compile_context>

<pallas_src>
import functools

import jax
import jax.numpy as jnp
from jax import lax
from jax.experimental import pallas as pl
from jax.experimental.pallas import tpu as pltpu
from jax.experimental.pallas import tpu_sc as plsc

N = 320000
D = 128
H = 64
S = 10000
C = 3200
G = N // C
W = 128
NTILES = 32
RPT = 328
ACC_R = 16 * RPT
OFF1 = 4992
OVR = S + W


def _tc_partials(x_ref, bi_ref, w_ref, v_ref, pout_ref, ovfn_ref, den_ref):
    c = pl.program_id(0)

    @pl.when(c == 0)
    def _init():
        ovfn_ref[...] = jnp.zeros_like(ovfn_ref)
        den_ref[...] = jnp.zeros_like(den_ref)

    x = x_ref[...]
    h = jnp.tanh(lax.dot(x, w_ref[...]))
    beta = lax.dot(h, v_ref[...])
    e = jnp.exp(beta)
    wgt = (x * e).astype(jnp.bfloat16)
    e_bf = e.astype(jnp.bfloat16)

    ids = bi_ref[0]
    base = (jnp.min(ids) // 8) * 8
    local = ids - base
    nwin = jnp.max(local) // W + 1

    row = lax.broadcasted_iota(jnp.int32, (W, C), 0)

    oht0 = (row == local).astype(jnp.bfloat16)
    win_num = lax.dot(oht0, wgt, preferred_element_type=jnp.float32)
    win_den = lax.dot(oht0, e_bf, preferred_element_type=jnp.float32)
    pout_ref[0] = win_num
    den_ref[pl.ds(base, W), :] += win_den

    @pl.when(nwin > 1)
    def _extra():
        def body(k, carry):
            oht = (row + k * W == local).astype(jnp.bfloat16)
            wn = lax.dot(oht, wgt, preferred_element_type=jnp.float32)
            wd = lax.dot(oht, e_bf, preferred_element_type=jnp.float32)
            b = base + k * W
            ovfn_ref[pl.ds(b, W), :] += wn
            den_ref[pl.ds(b, W), :] += wd
            return carry
        lax.fori_loop(1, nwin, body, 0)


@functools.partial(
    pl.kernel,
    out_type=[jax.ShapeDtypeStruct((ACC_R, D), jnp.float32),
              jax.ShapeDtypeStruct((ACC_R, D), jnp.float32)],
    mesh=plsc.VectorSubcoreMesh(core_axis_name="c", subcore_axis_name="s"),
    scratch_types=[pltpu.VMEM((RPT, D), jnp.float32),
                   pltpu.VMEM((W,), jnp.int32),
                   pltpu.VMEM((128,), jnp.int32),
                   pltpu.VMEM_SHARED((ACC_R, D), jnp.float32)],
)
def _sc_merge(pout_hbm, bases_hbm, out0, out1, zbuf, idxv, bsm, shacc):
    cid = lax.axis_index("c")
    sid = lax.axis_index("s")

    pltpu.sync_copy(bases_hbm, bsm)

    @pl.loop(0, RPT)
    def _z(r):
        for jj in range(D // 16):
            zbuf[r, pl.ds(jj * 16, 16)] = jnp.zeros((16,), jnp.float32)
    pltpu.sync_copy(zbuf, shacc.at[pl.ds(sid * RPT, RPT)])
    plsc.subcore_barrier()

    for j in range((G + 15) // 16):
        q = sid + 16 * j

        @pl.when(q < G)
        def _do(q=q):
            b = bsm[pl.ds(q, 16)][0]
            mine = jnp.where(cid == 0, (b < OFF1).astype(jnp.int32),
                             (b >= OFF1).astype(jnp.int32))

            @pl.when(mine == 1)
            def _go():
                pltpu.sync_copy(pout_hbm.at[q], zbuf.at[pl.ds(0, W)])
                blocal = b - cid * OFF1
                for jj in range(W // 16):
                    idxv[pl.ds(jj * 16, 16)] = (
                        lax.broadcasted_iota(jnp.int32, (16,), 0)
                        + (blocal + jj * 16))
                pltpu.sync_copy(zbuf.at[pl.ds(0, W)], shacc.at[idxv],
                                add=True)

    plsc.subcore_barrier()

    @pl.when(cid == 0)
    def _w0():
        pltpu.sync_copy(shacc.at[pl.ds(sid * RPT, RPT)],
                        out0.at[pl.ds(sid * RPT, RPT)])

    @pl.when(cid == 1)
    def _w1():
        pltpu.sync_copy(shacc.at[pl.ds(sid * RPT, RPT)],
                        out1.at[pl.ds(sid * RPT, RPT)])


def _tc_finalize(a0_ref, a1_ref, ovfn_ref, den_ref, out_ref):
    a0 = a0_ref[...]
    a1 = a1_ref[...]
    top = a0[:OFF1]
    mid = a0[OFF1:] + a1[:ACC_R - OFF1]
    bot = a1[ACC_R - OFF1:S - OFF1]
    num = jnp.concatenate([top, mid, bot], axis=0) + ovfn_ref[...]
    den = den_ref[...]
    out_ref[...] = jnp.where(den > 0, num / den, 0.0)


def kernel(embed, batch_index, W_a, V_a):
    bi3 = batch_index.reshape(G, 1, C)
    bases = (batch_index[::C] // 8) * 8
    bases = jnp.concatenate(
        [bases, jnp.zeros((128 - G,), jnp.int32)])

    pout, ovfn, den = pl.pallas_call(
        _tc_partials,
        grid=(G,),
        in_specs=[
            pl.BlockSpec((C, D), lambda c: (c, 0)),
            pl.BlockSpec((1, 1, C), lambda c: (c, 0, 0)),
            pl.BlockSpec((D, H), lambda c: (0, 0)),
            pl.BlockSpec((H, 1), lambda c: (0, 0)),
        ],
        out_specs=[
            pl.BlockSpec((1, W, D), lambda c: (c, 0, 0)),
            pl.BlockSpec((OVR, D), lambda c: (0, 0)),
            pl.BlockSpec((OVR, 1), lambda c: (0, 0)),
        ],
        out_shape=[
            jax.ShapeDtypeStruct((G, W, D), jnp.float32),
            jax.ShapeDtypeStruct((OVR, D), jnp.float32),
            jax.ShapeDtypeStruct((OVR, 1), jnp.float32),
        ],
    )(embed, bi3, W_a, V_a)

    acc0, acc1 = _sc_merge(pout, bases)

    return pl.pallas_call(
        _tc_finalize,
        grid=(1,),
        in_specs=[
            pl.BlockSpec((ACC_R, D), lambda i: (0, 0)),
            pl.BlockSpec((ACC_R, D), lambda i: (0, 0)),
            pl.BlockSpec((S, D), lambda i: (0, 0)),
            pl.BlockSpec((S, 1), lambda i: (0, 0)),
        ],
        out_specs=pl.BlockSpec((S, D), lambda i: (0, 0)),
        out_shape=jax.ShapeDtypeStruct((S, D), jnp.float32),
    )(acc0, acc1, ovfn, den)

# --- scband reference (transcript-rebuilt; emitter-appended) ---
"""Pipeline reference for scband-self-attention-19559281066068 (READ-ONLY COPY).

The authoritative reference and input builder live on the scoring server;
editing this copy changes nothing except your own understanding.
"""

import jax, jax.numpy as jnp
import numpy as np

N = 320000
D = 128
H = 64
NUM_SEGMENTS = 10000

def setup_inputs(seed: int = 0) -> dict:
    key = jax.random.key(seed)
    k1, k2, k3, k4 = jax.random.split(key, 4)
    embed = jax.random.normal(k1, (N, D), dtype=jnp.float32)
    batch_index = jnp.sort(jax.random.randint(k2, (N,), 0, NUM_SEGMENTS, dtype=jnp.int32))
    # Learned params: Attention_W (Linear embed_size->atten_hidden, no bias),
    # Attention_V (Linear atten_hidden->1, no bias). Stored as [in, out] matrices.
    W_a = jax.random.normal(k3, (D, H), dtype=jnp.float32) * 0.05
    V_a = jax.random.normal(k4, (H, 1), dtype=jnp.float32) * 0.05
    return {"embed": embed, "batch_index": batch_index, "W_a": W_a, "V_a": V_a}

def reference(embed, batch_index, W_a, V_a):
    # beta = Attention_V(tanh(Attention_W(embed))).squeeze(-1)
    beta = jnp.squeeze(jnp.tanh(embed @ W_a) @ V_a, axis=-1)  # [N]
    exp_beta = jnp.exp(beta)  # [N]
    # grouped_sum = scatter(exp_beta, batch_index, reduce='sum')
    grouped_sum = jax.ops.segment_sum(exp_beta, batch_index, num_segments=NUM_SEGMENTS)  # [S]
    # tile_sum: broadcast each segment's sum back to its elements (gather)
    tiled_sum = grouped_sum[batch_index]  # [N]
    alpha = (exp_beta / tiled_sum)[:, None]  # [N, 1]
    # result = scatter(alpha * embed, batch_index, reduce='sum')
    result = jax.ops.segment_sum(alpha * embed, batch_index, num_segments=NUM_SEGMENTS)  # [S, D]
    return result

if __name__ == "__main__":
    import jax
    _d = setup_inputs()
    print(jax.jit(kernel)(*tuple(_d.values())))

</pallas_src>

<mosaic_0001>
#map = affine_map<(d0, d1) -> (0, 0, 0)>
#map1 = affine_map<(d0, d1) -> (0)>
#map2 = affine_map<(d0, d1) -> (0, 0)>
module attributes {stable_mosaic.version = 14 : i64} {
  func.func @_sc_merge(%arg0: i32, %arg1: i32, %arg2: memref<100x128x128xf32, #tpu.memory_space<hbm>>, %arg3: memref<128xi32, #tpu.memory_space<hbm>>, %arg4: memref<5248x128xf32, #tpu.memory_space<hbm>>, %arg5: memref<5248x128xf32, #tpu.memory_space<hbm>>, %arg6: memref<328x128xf32, #tpu.memory_space<vmem>>, %arg7: memref<128xi32, #tpu.memory_space<vmem>>, %arg8: memref<128xi32, #tpu.memory_space<vmem>>, %arg9: memref<5248x128xf32, #tpu.memory_space<vmem_shared>>) attributes {dimension_semantics = [#tpu.dimension_semantics<core_parallel>, #tpu.dimension_semantics<subcore_parallel>], iteration_bounds = array<i64: 2, 16>, scalar_prefetch = 0 : i64, scratch_operands = 4 : i64, tpu.core_type = #tpu.core_type<sc_vector_subcore>, window_params = [{transform_indices = #map}, {transform_indices = #map1}, {transform_indices = #map2}, {transform_indices = #map2}]} {
    "tpu.region"() ({
      %run_scoped3A = tpu.sem_alloc : memref<!tpu.dma_semaphore, #tpu.memory_space<semaphore_mem>>
      tpu.enqueue_dma source(%arg3 : memref<128xi32, #tpu.memory_space<hbm>>) target(%arg8 : memref<128xi32, #tpu.memory_space<vmem>>) target_semaphore(%run_scoped3A : memref<!tpu.dma_semaphore, #tpu.memory_space<semaphore_mem>>)
      tpu.wait_dma2 semaphore(%run_scoped3A : memref<!tpu.dma_semaphore, #tpu.memory_space<semaphore_mem>>) src(%arg3 : memref<128xi32, #tpu.memory_space<hbm>>) dst(%arg8 : memref<128xi32, #tpu.memory_space<vmem>>)
      tpu.yield
    }) : () -> ()
    %scan3A = arith.constant 0 : i32
    %scan3A_0 = arith.constant 328 : i32
    %scan3A_1 = arith.addi %scan3A, %scan3A_0 : i32
    %scan3A_2 = arith.constant 1 : i32
    scf.for %scan3A_60 = %scan3A to %scan3A_1 step %scan3A_2  : i32 {
      %mul3A_61 = arith.constant 1 : i32
      %mul3A_62 = arith.muli %scan3A_60, %mul3A_61 : i32
      %add3A_63 = arith.constant 0 : i32
      %add3A_64 = arith.addi %add3A_63, %mul3A_62 : i32
      %broadcast_in_dim3A = arith.constant 0.000000e+00 : f32
      %broadcast_in_dim3A_65 = vector.broadcast %broadcast_in_dim3A : f32 to vector<16xf32>
      %swap3A = arith.index_cast %add3A_64 : i32 to index
      %swap3A_66 = arith.constant 0 : index
      %swap3A_67 = tpu.vector_load %arg6[%swap3A, %swap3A_66] {strides = array<i32>} : memref<328x128xf32, #tpu.memory_space<vmem>>, vector<1x16xf32>,
      %swap3A_68 = vector.shape_cast %swap3A_67 : vector<1x16xf32> to vector<16xf32>
      %swap3A_69 = vector.shape_cast %broadcast_in_dim3A_65 : vector<16xf32> to vector<1x16xf32>
      tpu.vector_store %arg6[%swap3A, %swap3A_66], %swap3A_69 {strides = array<i32>} : memref<328x128xf32, #tpu.memory_space<vmem>>, vector<1x16xf32>,
      %broadcast_in_dim3A_70 = arith.constant 0.000000e+00 : f32
      %broadcast_in_dim3A_71 = vector.broadcast %broadcast_in_dim3A_70 : f32 to vector<16xf32>
      %swap3A_72 = arith.index_cast %add3A_64 : i32 to index
      %swap3A_73 = arith.constant 16 : index
      %swap3A_74 = tpu.vector_load %arg6[%swap3A_72, %swap3A_73] {strides = array<i32>} : memref<328x128xf32, #tpu.memory_space<vmem>>, vector<1x16xf32>,
      %swap3A_75 = vector.shape_cast %swap3A_74 : vector<1x16xf32> to vector<16xf32>
      %swap3A_76 = vector.shape_cast %broadcast_in_dim3A_71 : vector<16xf32> to vector<1x16xf32>
      tpu.vector_store %arg6[%swap3A_72, %swap3A_73], %swap3A_76 {strides = array<i32>} : memref<328x128xf32, #tpu.memory_space<vmem>>, vector<1x16xf32>,
      %broadcast_in_dim3A_77 = arith.constant 0.000000e+00 : f32
      %broadcast_in_dim3A_78 = vector.broadcast %broadcast_in_dim3A_77 : f32 to vector<16xf32>
      %swap3A_79 = arith.index_cast %add3A_64 : i32 to index
      %swap3A_80 = arith.constant 32 : index
      %swap3A_81 = tpu.vector_load %arg6[%swap3A_79, %swap3A_80] {strides = array<i32>} : memref<328x128xf32, #tpu.memory_space<vmem>>, vector<1x16xf32>,
      %swap3A_82 = vector.shape_cast %swap3A_81 : vector<1x16xf32> to vector<16xf32>
      %swap3A_83 = vector.shape_cast %broadcast_in_dim3A_78 : vector<16xf32> to vector<1x16xf32>
      tpu.vector_store %arg6[%swap3A_79, %swap3A_80], %swap3A_83 {strides = array<i32>} : memref<328x128xf32, #tpu.memory_space<vmem>>, vector<1x16xf32>,
      %broadcast_in_dim3A_84 = arith.constant 0.000000e+00 : f32
      %broadcast_in_dim3A_85 = vector.broadcast %broadcast_in_dim3A_84 : f32 to vector<16xf32>
      %swap3A_86 = arith.index_cast %add3A_64 : i32 to index
      %swap3A_87 = arith.constant 48 : index
      %swap3A_88 = tpu.vector_load %arg6[%swap3A_86, %swap3A_87] {strides = array<i32>} : memref<328x128xf32, #tpu.memory_space<vmem>>, vector<1x16xf32>,
      %swap3A_89 = vector.shape_cast %swap3A_88 : vector<1x16xf32> to vector<16xf32>
      %swap3A_90 = vector.shape_cast %broadcast_in_dim3A_85 : vector<16xf32> to vector<1x16xf32>
      tpu.vector_store %arg6[%swap3A_86, %swap3A_87], %swap3A_90 {strides = array<i32>} : memref<328x128xf32, #tpu.memory_space<vmem>>, vector<1x16xf32>,
      %broadcast_in_dim3A_91 = arith.constant 0.000000e+00 : f32
      %broadcast_in_dim3A_92 = vector.broadcast %broadcast_in_dim3A_91 : f32 to vector<16xf32>
      %swap3A_93 = arith.index_cast %add3A_64 : i32 to index
      %swap3A_94 = arith.constant 64 : index
      %swap3A_95 = tpu.vector_load %arg6[%swap3A_93, %swap3A_94] {strides = array<i32>} : memref<328x128xf32, #tpu.memory_space<vmem>>, vector<1x16xf32>,
      %swap3A_96 = vector.shape_cast %swap3A_95 : vector<1x16xf32> to vector<16xf32>
      %swap3A_97 = vector.shape_cast %broadcast_in_dim3A_92 : vector<16xf32> to vector<1x16xf32>
      tpu.vector_store %arg6[%swap3A_93, %swap3A_94], %swap3A_97 {strides = array<i32>} : memref<328x128xf32, #tpu.memory_space<vmem>>, vector<1x16xf32>,
      %broadcast_in_dim3A_98 = arith.constant 0.000000e+00 : f32
      %broadcast_in_dim3A_99 = vector.broadcast %broadcast_in_dim3A_98 : f32 to vector<16xf32>
      %swap3A_100 = arith.index_cast %add3A_64 : i32 to index
      %swap3A_101 = arith.constant 80 : index
      %swap3A_102 = tpu.vector_load %arg6[%swap3A_100, %swap3A_101] {strides = array<i32>} : memref<328x128xf32, #tpu.memory_space<vmem>>, vector<1x16xf32>,
      %swap3A_103 = vector.shape_cast %swap3A_102 : vector<1x16xf32> to vector<16xf32>
      %swap3A_104 = vector.shape_cast %broadcast_in_dim3A_99 : vector<16xf32> to vector<1x16xf32>
      tpu.vector_store %arg6[%swap3A_100, %swap3A_101], %swap3A_104 {strides = array<i32>} : memref<328x128xf32, #tpu.memory_space<vmem>>, vector<1x16xf32>,
      %broadcast_in_dim3A_105 = arith.constant 0.000000e+00 : f32
      %broadcast_in_dim3A_106 = vector.broadcast %broadcast_in_dim3A_105 : f32 to vector<16xf32>
      %swap3A_107 = arith.index_cast %add3A_64 : i32 to index
      %swap3A_108 = arith.constant 96 : index
      %swap3A_109 = tpu.vector_load %arg6[%swap3A_107, %swap3A_108] {strides = array<i32>} : memref<328x128xf32, #tpu.memory_space<vmem>>, vector<1x16xf32>,
      %swap3A_110 = vector.shape_cast %swap3A_109 : vector<1x16xf32> to vector<16xf32>
      %swap3A_111 = vector.shape_cast %broadcast_in_dim3A_106 : vector<16xf32> to vector<1x16xf32>
      tpu.vector_store %arg6[%swap3A_107, %swap3A_108], %swap3A_111 {strides = array<i32>} : memref<328x128xf32, #tpu.memory_space<vmem>>, vector<1x16xf32>,
      %broadcast_in_dim3A_112 = arith.constant 0.000000e+00 : f32
      %broadcast_in_dim3A_113 = vector.broadcast %broadcast_in_dim3A_112 : f32 to vector<16xf32>
      %swap3A_114 = arith.index_cast %add3A_64 : i32 to index
      %swap3A_115 = arith.constant 112 : index
      %swap3A_116 = tpu.vector_load %arg6[%swap3A_114, %swap3A_115] {strides = array<i32>} : memref<328x128xf32, #tpu.memory_space<vmem>>, vector<1x16xf32>,
      %swap3A_117 = vector.shape_cast %swap3A_116 : vector<1x16xf32> to vector<16xf32>
      %swap3A_118 = vector.shape_cast %broadcast_in_dim3A_113 : vector<16xf32> to vector<1x16xf32>
      tpu.vector_store %arg6[%swap3A_114, %swap3A_115], %swap3A_118 {strides = array<i32>} : memref<328x128xf32, #tpu.memory_space<vmem>>, vector<1x16xf32>,
    }
    %scan3A_3 = arith.constant 328 : i32
    %mul3A = arith.constant 328 : i32
    %mul3A_4 = arith.muli %arg1, %mul3A : i32
    "tpu.region"() ({
      %run_scoped3A = tpu.sem_alloc : memref<!tpu.dma_semaphore, #tpu.memory_space<semaphore_mem>>
      %dma_start3A = arith.constant 0 : i32
      %dma_start3A_60 = tpu.memref_slice %arg9[%mul3A_4, %dma_start3A] : memref<5248x128xf32, #tpu.memory_space<vmem_shared>> -> memref<328x128xf32, #tpu.memory_space<vmem_shared>>
      %dma_start3A_61 = arith.constant 0 : i32
      %dma_start3A_62 = tpu.memref_slice %arg9[%mul3A_4, %dma_start3A_61] : memref<5248x128xf32, #tpu.memory_space<vmem_shared>> -> memref<328x128xf32, #tpu.memory_space<vmem_shared>>
      tpu.enqueue_dma source(%arg6 : memref<328x128xf32, #tpu.memory_space<vmem>>) target(%dma_start3A_62 : memref<328x128xf32, #tpu.memory_space<vmem_shared>>) target_semaphore(%run_scoped3A : memref<!tpu.dma_semaphore, #tpu.memory_space<semaphore_mem>>)
      %dma_wait3A = arith.constant 0 : i32
      %dma_wait3A_63 = tpu.memref_slice %arg9[%mul3A_4, %dma_wait3A] : memref<5248x128xf32, #tpu.memory_space<vmem_shared>> -> memref<328x128xf32, #tpu.memory_space<vmem_shared>>
      %dma_wait3A_64 = arith.constant 0 : i32
      %dma_wait3A_65 = tpu.memref_slice %arg9[%mul3A_4, %dma_wait3A_64] : memref<5248x128xf32, #tpu.memory_space<vmem_shared>> -> memref<328x128xf32, #tpu.memory_space<vmem_shared>>
      tpu.wait_dma2 semaphore(%run_scoped3A : memref<!tpu.dma_semaphore, #tpu.memory_space<semaphore_mem>>) src(%arg6 : memref<328x128xf32, #tpu.memory_space<vmem>>) dst(%dma_wait3A_65 : memref<328x128xf32, #tpu.memory_space<vmem_shared>>)
      tpu.yield
    }) : () -> ()
    %barrier3A = arith.constant 0 : index
    tpu.barrier barrier_id(%barrier3A)
    %add3A = arith.constant 0 : i32
    %add3A_5 = arith.addi %arg1, %add3A : i32
    %lt3A = arith.constant 100 : i32
    %lt3A_6 = arith.cmpi slt, %add3A_5, %lt3A : i32
    %convert_element_type3A = arith.extui %lt3A_6 : i1 to i32
    %cond3A = arith.constant 0 : i32
    %cond3A_7 = arith.cmpi ne, %convert_element_type3A, %cond3A : i32
    scf.if %cond3A_7 {
      %get3A = arith.index_cast %add3A_5 : i32 to index
      %get3A_60 = tpu.vector_load %arg8[%get3A] {strides = array<i32>} : memref<128xi32, #tpu.memory_space<vmem>>, vector<16xi32>,
      %get3A_61 = vector.shape_cast %get3A_60 : vector<16xi32> to vector<16xi32>
      %slice3A = vector.extract_strided_slice %get3A_61 {offsets = [0], sizes = [1], strides = [1]} : vector<16xi32> to vector<1xi32>
      %squeeze3A = vector.extract %slice3A[0] : i32 from vector<1xi32>
      %eq3A_62 = arith.constant 0 : i32
      %eq3A_63 = arith.cmpi eq, %arg0, %eq3A_62 : i32
      %lt3A_64 = arith.constant 4992 : i32
      %lt3A_65 = arith.cmpi slt, %squeeze3A, %lt3A_64 : i32
      %convert_element_type3A_66 = arith.extui %lt3A_65 : i1 to i32
      %ge3A = arith.constant 4992 : i32
      %ge3A_67 = arith.cmpi sge, %squeeze3A, %ge3A : i32
      %convert_element_type3A_68 = arith.extui %ge3A_67 : i1 to i32
      %select_n3A = arith.select %eq3A_63, %convert_element_type3A_66, %convert_element_type3A_68 : i32
      %eq3A_69 = arith.constant 1 : i32
      %eq3A_70 = arith.cmpi eq, %select_n3A, %eq3A_69 : i32
      %convert_element_type3A_71 = arith.extui %eq3A_70 : i1 to i32
      %cond3A_72 = arith.constant 0 : i32
      %cond3A_73 = arith.cmpi ne, %convert_element_type3A_71, %cond3A_72 : i32
      scf.if %cond3A_73 {
        "tpu.region"() ({
          %run_scoped3A = tpu.sem_alloc : memref<!tpu.dma_semaphore, #tpu.memory_space<semaphore_mem>>
          %dma_start3A = arith.constant 0 : i32
          %dma_start3A_146 = arith.constant 0 : i32
          %dma_start3A_147 = tpu.memref_slice %arg6[%dma_start3A, %dma_start3A_146] : memref<328x128xf32, #tpu.memory_space<vmem>> -> memref<128x128xf32, #tpu.memory_space<vmem>>
          %dma_start3A_148 = arith.constant 0 : i32
          %dma_start3A_149 = arith.constant 0 : i32
          %dma_start3A_150 = tpu.memref_slice %arg2[%add3A_5, %dma_start3A_148, %dma_start3A_149] : memref<100x128x128xf32, #tpu.memory_space<hbm>> -> memref<1x128x128xf32, #tpu.memory_space<hbm>>
          %dma_start3A_151 = tpu.memref_squeeze %dma_start3A_150 : memref<1x128x128xf32, #tpu.memory_space<hbm>> -> memref<128x128xf32, #tpu.memory_space<hbm>>
          %dma_start3A_152 = arith.constant 0 : i32
          %dma_start3A_153 = arith.constant 0 : i32
          %dma_start3A_154 = tpu.memref_slice %arg6[%dma_start3A_152, %dma_start3A_153] : memref<328x128xf32, #tpu.memory_space<vmem>> -> memref<128x128xf32, #tpu.memory_space<vmem>>
          %dma_start3A_155 = arith.constant 0 : i32
          %dma_start3A_156 = arith.constant 0 : i32
          %dma_start3A_157 = tpu.memref_slice %arg2[%add3A_5, %dma_start3A_155, %dma_start3A_156] : memref<100x128x128xf32, #tpu.memory_space<hbm>> -> memref<1x128x128xf32, #tpu.memory_space<hbm>>
          %dma_start3A_158 = tpu.memref_squeeze %dma_start3A_157 : memref<1x128x128xf32, #tpu.memory_space<hbm>> -> memref<128x128xf32, #tpu.memory_space<hbm>>
          tpu.enqueue_dma source(%dma_start3A_158 : memref<128x128xf32, #tpu.memory_space<hbm>>) target(%dma_start3A_154 : memref<128x128xf32, #tpu.memory_space<vmem>>) target_semaphore(%run_scoped3A : memref<!tpu.dma_semaphore, #tpu.memory_space<semaphore_mem>>)
          %dma_wait3A = arith.constant 0 : i32
          %dma_wait3A_159 = arith.constant 0 : i32
          %dma_wait3A_160 = tpu.memref_slice %arg6[%dma_wait3A, %dma_wait3A_159] : memref<328x128xf32, #tpu.memory_space<vmem>> -> memref<128x128xf32, #tpu.memory_space<vmem>>
          %dma_wait3A_161 = arith.constant 0 : i32
          %dma_wait3A_162 = arith.constant 0 : i32
          %dma_wait3A_163 = tpu.memref_slice %arg2[%add3A_5, %dma_wait3A_161, %dma_wait3A_162] : memref<100x128x128xf32, #tpu.memory_space<hbm>> -> memref<1x128x128xf32, #tpu.memory_space<hbm>>
          %dma_wait3A_164 = tpu.memref_squeeze %dma_wait3A_163 : memref<1x128x128xf32, #tpu.memory_space<hbm>> -> memref<128x128xf32, #tpu.memory_space<hbm>>
          %dma_wait3A_165 = arith.constant 0 : i32
          %dma_wait3A_166 = arith.constant 0 : i32
          %dma_wait3A_167 = tpu.memref_slice %arg6[%dma_wait3A_165, %dma_wait3A_166] : memref<328x128xf32, #tpu.memory_space<vmem>> -> memref<128x128xf32, #tpu.memory_space<vmem>>
          %dma_wait3A_168 = arith.constant 0 : i32
          %dma_wait3A_169 = arith.constant 0 : i32
          %dma_wait3A_170 = tpu.memref_slice %arg2[%add3A_5, %dma_wait3A_168, %dma_wait3A_169] : memref<100x128x128xf32, #tpu.memory_space<hbm>> -> memref<1x128x128xf32, #tpu.memory_space<hbm>>
          %dma_wait3A_171 = tpu.memref_squeeze %dma_wait3A_170 : memref<1x128x128xf32, #tpu.memory_space<hbm>> -> memref<128x128xf32, #tpu.memory_space<hbm>>
          tpu.wait_dma2 semaphore(%run_scoped3A : memref<!tpu.dma_semaphore, #tpu.memory_space<semaphore_mem>>) src(%dma_wait3A_171 : memref<128x128xf32, #tpu.memory_space<hbm>>) dst(%dma_wait3A_167 : memref<128x128xf32, #tpu.memory_space<vmem>>)
          tpu.yield
        }) : () -> ()
        %mul3A_74 = arith.constant 4992 : i32
        %mul3A_75 = arith.muli %arg0, %mul3A_74 : i32
        %sub3A = arith.subi %squeeze3A, %mul3A_75 : i32
        %iota3A = tpu.iota {dimensions = array<i32: 0>} : vector<16xi32>
        %add3A_76 = arith.constant 0 : i32
        %add3A_77 = arith.addi %sub3A, %add3A_76 : i32
        %add3A_78 = vector.broadcast %add3A_77 : i32 to vector<16xi32>
        %add3A_79 = arith.addi %iota3A, %add3A_78 : vector<16xi32>
        %swap3A = arith.constant 0 : index
        %swap3A_80 = tpu.vector_load %arg7[%swap3A] {strides = array<i32>} : memref<128xi32, #tpu.memory_space<vmem>>, vector<16xi32>,
        %swap3A_81 = vector.shape_cast %swap3A_80 : vector<16xi32> to vector<16xi32>
        %swap3A_82 = vector.shape_cast %add3A_79 : vector<16xi32> to vector<16xi32>
        tpu.vector_store %arg7[%swap3A], %swap3A_82 {strides = array<i32>} : memref<128xi32, #tpu.memory_space<vmem>>, vector<16xi32>,
        %iota3A_83 = tpu.iota {dimensions = array<i32: 0>} : vector<16xi32>
        %add3A_84 = arith.constant 16 : i32
        %add3A_85 = arith.addi %sub3A, %add3A_84 : i32
        %add3A_86 = vector.broadcast %add3A_85 : i32 to vector<16xi32>
        %add3A_87 = arith.addi %iota3A_83, %add3A_86 : vector<16xi32>
        %swap3A_88 = arith.constant 16 : index
        %swap3A_89 = tpu.vector_load %arg7[%swap3A_88] {strides = array<i32>} : memref<128xi32, #tpu.memory_space<vmem>>, vector<16xi32>,
        %swap3A_90 = vector.shape_cast %swap3A_89 : vector<16xi32> to vector<16xi32>
        %swap3A_91 = vector.shape_cast %add3A_87 : vector<16xi32> to vector<16xi32>
        tpu.vector_store %arg7[%swap3A_88], %swap3A_91 {strides = array<i32>} : memref<128xi32, #tpu.memory_space<vmem>>, vector<16xi32>,
        %iota3A_92 = tpu.iota {dimensions = array<i32: 0>} : vector<16xi32>
        %add3A_93 = arith.constant 32 : i32
        %add3A_94 = arith.addi %sub3A, %add3A_93 : i32
        %add3A_95 = vector.broadcast %add3A_94 : i32 to vector<16xi32>
        %add3A_96 = arith.addi %iota3A_92, %add3A_95 : vector<16xi32>
        %swap3A_97 = arith.constant 32 : index
        %swap3A_98 = tpu.vector_load %arg7[%swap3A_97] {strides = array<i32>} : memref<128xi32, #tpu.memory_space<vmem>>, vector<16xi32>,
        %swap3A_99 = vector.shape_cast %swap3A_98 : vector<16xi32> to vector<16xi32>
        %swap3A_100 = vector.shape_cast %add3A_96 : vector<16xi32> to vector<16xi32>
        tpu.vector_store %arg7[%swap3A_97], %swap3A_100 {strides = array<i32>} : memref<128xi32, #tpu.memory_space<vmem>>, vector<16xi32>,
        %iota3A_101 = tpu.iota {dimensions = array<i32: 0>} : vector<16xi32>
        %add3A_102 = arith.constant 48 : i32
        %add3A_103 = arith.addi %sub3A, %add3A_102 : i32
        %add3A_104 = vector.broadcast %add3A_103 : i32 to vector<16xi32>
        %add3A_105 = arith.addi %iota3A_101, %add3A_104 : vector<16xi32>
        %swap3A_106 = arith.constant 48 : index
        %swap3A_107 = tpu.vector_load %arg7[%swap3A_106] {strides = array<i32>} : memref<128xi32, #tpu.memory_space<vmem>>, vector<16xi32>,
        %swap3A_108 = vector.shape_cast %swap3A_107 : vector<16xi32> to vector<16xi32>
        %swap3A_109 = vector.shape_cast %add3A_105 : vector<16xi32> to vector<16xi32>
        tpu.vector_store %arg7[%swap3A_106], %swap3A_109 {strides = array<i32>} : memref<128xi32, #tpu.memory_space<vmem>>, vector<16xi32>,
        %iota3A_110 = tpu.iota {dimensions = array<i32: 0>} : vector<16xi32>
        %add3A_111 = arith.constant 64 : i32
        %add3A_112 = arith.addi %sub3A, %add3A_111 : i32
        %add3A_113 = vector.broadcast %add3A_112 : i32 to vector<16xi32>
        %add3A_114 = arith.addi %iota3A_110, %add3A_113 : vector<16xi32>
        %swap3A_115 = arith.constant 64 : index
        %swap3A_116 = tpu.vector_load %arg7[%swap3A_115] {strides = array<i32>} : memref<128xi32, #tpu.memory_space<vmem>>, vector<16xi32>,
        %swap3A_117 = vector.shape_cast %swap3A_116 : vector<16xi32> to vector<16xi32>
        %swap3A_118 = vector.shape_cast %add3A_114 : vector<16xi32> to vector<16xi32>
        tpu.vector_store %arg7[%swap3A_115], %swap3A_118 {strides = array<i32>} : memref<128xi32, #tpu.memory_space<vmem>>, vector<16xi32>,
        %iota3A_119 = tpu.iota {dimensions = array<i32: 0>} : vector<16xi32>
        %add3A_120 = arith.constant 80 : i32
        %add3A_121 = arith.addi %sub3A, %add3A_120 : i32
        %add3A_122 = vector.broadcast %add3A_121 : i32 to vector<16xi32>
        %add3A_123 = arith.addi %iota3A_119, %add3A_122 : vector<16xi32>
        %swap3A_124 = arith.constant 80 : index
        %swap3A_125 = tpu.vector_load %arg7[%swap3A_124] {strides = array<i32>} : memref<128xi32, #tpu.memory_space<vmem>>, vector<16xi32>,
        %swap3A_126 = vector.shape_cast %swap3A_125 : vector<16xi32> to vector<16xi32>
        %swap3A_127 = vector.shape_cast %add3A_123 : vector<16xi32> to vector<16xi32>
        tpu.vector_store %arg7[%swap3A_124], %swap3A_127 {strides = array<i32>} : memref<128xi32, #tpu.memory_space<vmem>>, vector<16xi32>,
        %iota3A_128 = tpu.iota {dimensions = array<i32: 0>} : vector<16xi32>
        %add3A_129 = arith.constant 96 : i32
        %add3A_130 = arith.addi %sub3A, %add3A_129 : i32
        %add3A_131 = vector.broadcast %add3A_130 : i32 to vector<16xi32>
        %add3A_132 = arith.addi %iota3A_128, %add3A_131 : vector<16xi32>
        %swap3A_133 = arith.constant 96 : index
        %swap3A_134 = tpu.vector_load %arg7[%swap3A_133] {strides = array<i32>} : memref<128xi32, #tpu.memory_space<vmem>>, vector<16xi32>,
        %swap3A_135 = vector.shape_cast %swap3A_134 : vector<16xi32> to vector<16xi32>
        %swap3A_136 = vector.shape_cast %add3A_132 : vector<16xi32> to vector<16xi32>
        tpu.vector_store %arg7[%swap3A_133], %swap3A_136 {strides = array<i32>} : memref<128xi32, #tpu.memory_space<vmem>>, vector<16xi32>,
        %iota3A_137 = tpu.iota {dimensions = array<i32: 0>} : vector<16xi32>
        %add3A_138 = arith.constant 112 : i32
        %add3A_139 = arith.addi %sub3A, %add3A_138 : i32
        %add3A_140 = vector.broadcast %add3A_139 : i32 to vector<16xi32>
        %add3A_141 = arith.addi %iota3A_137, %add3A_140 : vector<16xi32>
        %swap3A_142 = arith.constant 112 : index
        %swap3A_143 = tpu.vector_load %arg7[%swap3A_142] {strides = array<i32>} : memref<128xi32, #tpu.memory_space<vmem>>, vector<16xi32>,
        %swap3A_144 = vector.shape_cast %swap3A_143 : vector<16xi32> to vector<16xi32>
        %swap3A_145 = vector.shape_cast %add3A_141 : vector<16xi32> to vector<16xi32>
        tpu.vector_store %arg7[%swap3A_142], %swap3A_145 {strides = array<i32>} : memref<128xi32, #tpu.memory_space<vmem>>, vector<16xi32>,
        "tpu.region"() ({
          %run_scoped3A = tpu.sem_alloc : memref<!tpu.dma_semaphore, #tpu.memory_space<semaphore_mem>>
          %dma_start3A = arith.constant 0 : i32
          %dma_start3A_146 = arith.constant 0 : i32
          %dma_start3A_147 = tpu.memref_slice %arg6[%dma_start3A, %dma_start3A_146] : memref<328x128xf32, #tpu.memory_space<vmem>> -> memref<128x128xf32, #tpu.memory_space<vmem>>
          %dma_start3A_148 = arith.constant 0 : i32
          %dma_start3A_149 = arith.constant 0 : i32
          %dma_start3A_150 = tpu.memref_slice %arg9[%dma_start3A_148, %dma_start3A_149] : memref<5248x128xf32, #tpu.memory_space<vmem_shared>> -> memref<5248x128xf32, #tpu.memory_space<vmem_shared>>
          tpu.enqueue_indirect_dma source(%dma_start3A_147 : memref<128x128xf32, #tpu.memory_space<vmem>>) target(%dma_start3A_150 : memref<5248x128xf32, #tpu.memory_space<vmem_shared>>) offsets(%arg7 : memref<128xi32, #tpu.memory_space<vmem>>) semaphore(%run_scoped3A : memref<!tpu.dma_semaphore, #tpu.memory_space<semaphore_mem>>) {add = true}
          %dma_wait3A = arith.constant 0 : i32
          %dma_wait3A_151 = arith.constant 0 : i32
          %dma_wait3A_152 = tpu.memref_slice %arg6[%dma_wait3A, %dma_wait3A_151] : memref<328x128xf32, #tpu.memory_space<vmem>> -> memref<128x128xf32, #tpu.memory_space<vmem>>
          %dma_wait3A_153 = arith.constant 0 : i32
          %dma_wait3A_154 = arith.constant 0 : i32
          %dma_wait3A_155 = tpu.memref_slice %arg9[%dma_wait3A_153, %dma_wait3A_154] : memref<5248x128xf32, #tpu.memory_space<vmem_shared>> -> memref<5248x128xf32, #tpu.memory_space<vmem_shared>>
          tpu.wait_indirect_dma semaphore(%run_scoped3A : memref<!tpu.dma_semaphore, #tpu.memory_space<semaphore_mem>>) src(%dma_wait3A_152 : memref<128x128xf32, #tpu.memory_space<vmem>>) dst(%dma_wait3A_155 : memref<5248x128xf32, #tpu.memory_space<vmem_shared>>)
          tpu.yield
        }) : () -> ()
      } else {
      }
    } else {
    }
    %add3A_8 = arith.constant 16 : i32
    %add3A_9 = arith.addi %arg1, %add3A_8 : i32
    %lt3A_10 = arith.constant 100 : i32
    %lt3A_11 = arith.cmpi slt, %add3A_9, %lt3A_10 : i32
    %convert_element_type3A_12 = arith.extui %lt3A_11 : i1 to i32
    %cond3A_13 = arith.constant 0 : i32
    %cond3A_14 = arith.cmpi ne, %convert_element_type3A_12, %cond3A_13 : i32
    scf.if %cond3A_14 {
      %get3A = arith.index_cast %add3A_9 : i32 to index
      %get3A_60 = tpu.vector_load %arg8[%get3A] {strides = array<i32>} : memref<128xi32, #tpu.memory_space<vmem>>, vector<16xi32>,
      %get3A_61 = vector.shape_cast %get3A_60 : vector<16xi32> to vector<16xi32>
      %slice3A = vector.extract_strided_slice %get3A_61 {offsets = [0], sizes = [1], strides = [1]} : vector<16xi32> to vector<1xi32>
      %squeeze3A = vector.extract %slice3A[0] : i32 from vector<1xi32>
      %eq3A_62 = arith.constant 0 : i32
      %eq3A_63 = arith.cmpi eq, %arg0, %eq3A_62 : i32
      %lt3A_64 = arith.constant 4992 : i32
      %lt3A_65 = arith.cmpi slt, %squeeze3A, %lt3A_64 : i32
      %convert_element_type3A_66 = arith.extui %lt3A_65 : i1 to i32
      %ge3A = arith.constant 4992 : i32
      %ge3A_67 = arith.cmpi sge, %squeeze3A, %ge3A : i32
      %convert_element_type3A_68 = arith.extui %ge3A_67 : i1 to i32
      %select_n3A = arith.select %eq3A_63, %convert_element_type3A_66, %convert_element_type3A_68 : i32
      %eq3A_69 = arith.constant 1 : i32
      %eq3A_70 = arith.cmpi eq, %select_n3A, %eq3A_69 : i32
      %convert_element_type3A_71 = arith.extui %eq3A_70 : i1 to i32
      %cond3A_72 = arith.constant 0 : i32
      %cond3A_73 = arith.cmpi ne, %convert_element_type3A_71, %cond3A_72 : i32
      scf.if %cond3A_73 {
        "tpu.region"() ({
          %run_scoped3A = tpu.sem_alloc : memref<!tpu.dma_semaphore, #tpu.memory_space<semaphore_mem>>
          %dma_start3A = arith.constant 0 : i32
          %dma_start3A_146 = arith.constant 0 : i32
          %dma_start3A_147 = tpu.memref_slice %arg6[%dma_start3A, %dma_start3A_146] : memref<328x128xf32, #tpu.memory_space<vmem>> -> memref<128x128xf32, #tpu.memory_space<vmem>>
          %dma_start3A_148 = arith.constant 0 : i32
          %dma_start3A_149 = arith.constant 0 : i32
          %dma_start3A_150 = tpu.memref_slice %arg2[%add3A_9, %dma_start3A_148, %dma_start3A_149] : memref<100x128x128xf32, #tpu.memory_space<hbm>> -> memref<1x128x128xf32, #tpu.memory_space<hbm>>
          %dma_start3A_151 = tpu.memref_squeeze %dma_start3A_150 : memref<1x128x128xf32, #tpu.memory_space<hbm>> -> memref<128x128xf32, #tpu.memory_space<hbm>>
          %dma_start3A_152 = arith.constant 0 : i32
          %dma_start3A_153 = arith.constant 0 : i32
          %dma_start3A_154 = tpu.memref_slice %arg6[%dma_start3A_152, %dma_start3A_153] : memref<328x128xf32, #tpu.memory_space<vmem>> -> memref<128x128xf32, #tpu.memory_space<vmem>>
          %dma_start3A_155 = arith.constant 0 : i32
          %dma_start3A_156 = arith.constant 0 : i32
          %dma_start3A_157 = tpu.memref_slice %arg2[%add3A_9, %dma_start3A_155, %dma_start3A_156] : memref<100x128x128xf32, #tpu.memory_space<hbm>> -> memref<1x128x128xf32, #tpu.memory_space<hbm>>
          %dma_start3A_158 = tpu.memref_squeeze %dma_start3A_157 : memref<1x128x128xf32, #tpu.memory_space<hbm>> -> memref<128x128xf32, #tpu.memory_space<hbm>>
          tpu.enqueue_dma source(%dma_start3A_158 : memref<128x128xf32, #tpu.memory_space<hbm>>) target(%dma_start3A_154 : memref<128x128xf32, #tpu.memory_space<vmem>>) target_semaphore(%run_scoped3A : memref<!tpu.dma_semaphore, #tpu.memory_space<semaphore_mem>>)
          %dma_wait3A = arith.constant 0 : i32
          %dma_wait3A_159 = arith.constant 0 : i32
          %dma_wait3A_160 = tpu.memref_slice %arg6[%dma_wait3A, %dma_wait3A_159] : memref<328x128xf32, #tpu.memory_space<vmem>> -> memref<128x128xf32, #tpu.memory_space<vmem>>
          %dma_wait3A_161 = arith.constant 0 : i32
          %dma_wait3A_162 = arith.constant 0 : i32
          %dma_wait3A_163 = tpu.memref_slice %arg2[%add3A_9, %dma_wait3A_161, %dma_wait3A_162] : memref<100x128x128xf32, #tpu.memory_space<hbm>> -> memref<1x128x128xf32, #tpu.memory_space<hbm>>
          %dma_wait3A_164 = tpu.memref_squeeze %dma_wait3A_163 : memref<1x128x128xf32, #tpu.memory_space<hbm>> -> memref<128x128xf32, #tpu.memory_space<hbm>>
          %dma_wait3A_165 = arith.constant 0 : i32
          %dma_wait3A_166 = arith.constant 0 : i32
          %dma_wait3A_167 = tpu.memref_slice %arg6[%dma_wait3A_165, %dma_wait3A_166] : memref<328x128xf32, #tpu.memory_space<vmem>> -> memref<128x128xf32, #tpu.memory_space<vmem>>
          %dma_wait3A_168 = arith.constant 0 : i32
          %dma_wait3A_169 = arith.constant 0 : i32
          %dma_wait3A_170 = tpu.memref_slice %arg2[%add3A_9, %dma_wait3A_168, %dma_wait3A_169] : memref<100x128x128xf32, #tpu.memory_space<hbm>> -> memref<1x128x128xf32, #tpu.memory_space<hbm>>
          %dma_wait3A_171 = tpu.memref_squeeze %dma_wait3A_170 : memref<1x128x128xf32, #tpu.memory_space<hbm>> -> memref<128x128xf32, #tpu.memory_space<hbm>>
          tpu.wait_dma2 semaphore(%run_scoped3A : memref<!tpu.dma_semaphore, #tpu.memory_space<semaphore_mem>>) src(%dma_wait3A_171 : memref<128x128xf32, #tpu.memory_space<hbm>>) dst(%dma_wait3A_167 : memref<128x128xf32, #tpu.memory_space<vmem>>)
          tpu.yield
        }) : () -> ()
        %mul3A_74 = arith.constant 4992 : i32
        %mul3A_75 = arith.muli %arg0, %mul3A_74 : i32
        %sub3A = arith.subi %squeeze3A, %mul3A_75 : i32
        %iota3A = tpu.iota {dimensions = array<i32: 0>} : vector<16xi32>
        %add3A_76 = arith.constant 0 : i32
        %add3A_77 = arith.addi %sub3A, %add3A_76 : i32
        %add3A_78 = vector.broadcast %add3A_77 : i32 to vector<16xi32>
        %add3A_79 = arith.addi %iota3A, %add3A_78 : vector<16xi32>
        %swap3A = arith.constant 0 : index
        %swap3A_80 = tpu.vector_load %arg7[%swap3A] {strides = array<i32>} : memref<128xi32, #tpu.memory_space<vmem>>, vector<16xi32>,
        %swap3A_81 = vector.shape_cast %swap3A_80 : vector<16xi32> to vector<16xi32>
        %swap3A_82 = vector.shape_cast %add3A_79 : vector<16xi32> to vector<16xi32>
        tpu.vector_store %arg7[%swap3A], %swap3A_82 {strides = array<i32>} : memref<128xi32, #tpu.memory_space<vmem>>, vector<16xi32>,
        %iota3A_83 = tpu.iota {dimensions = array<i32: 0>} : vector<16xi32>
        %add3A_84 = arith.constant 16 : i32
        %add3A_85 = arith.addi %sub3A, %add3A_84 : i32
        %add3A_86 = vector.broadcast %add3A_85 : i32 to vector<16xi32>
        %add3A_87 = arith.addi %iota3A_83, %add3A_86 : vector<16xi32>
        %swap3A_88 = arith.constant 16 : index
        %swap3A_89 = tpu.vector_load %arg7[%swap3A_88] {strides = array<i32>} : memref<128xi32, #tpu.memory_space<vmem>>, vector<16xi32>,
        %swap3A_90 = vector.shape_cast %swap3A_89 : vector<16xi32> to vector<16xi32>
        %swap3A_91 = vector.shape_cast %add3A_87 : vector<16xi32> to vector<16xi32>
        tpu.vector_store %arg7[%swap3A_88], %swap3A_91 {strides = array<i32>} : memref<128xi32, #tpu.memory_space<vmem>>, vector<16xi32>,
        %iota3A_92 = tpu.iota {dimensions = array<i32: 0>} : vector<16xi32>
        %add3A_93 = arith.constant 32 : i32
        %add3A_94 = arith.addi %sub3A, %add3A_93 : i32
        %add3A_95 = vector.broadcast %add3A_94 : i32 to vector<16xi32>
        %add3A_96 = arith.addi %iota3A_92, %add3A_95 : vector<16xi32>
        %swap3A_97 = arith.constant 32 : index
        %swap3A_98 = tpu.vector_load %arg7[%swap3A_97] {strides = array<i32>} : memref<128xi32, #tpu.memory_space<vmem>>, vector<16xi32>,
        %swap3A_99 = vector.shape_cast %swap3A_98 : vector<16xi32> to vector<16xi32>
        %swap3A_100 = vector.shape_cast %add3A_96 : vector<16xi32> to vector<16xi32>
        tpu.vector_store %arg7[%swap3A_97], %swap3A_100 {strides = array<i32>} : memref<128xi32, #tpu.memory_space<vmem>>, vector<16xi32>,
        %iota3A_101 = tpu.iota {dimensions = array<i32: 0>} : vector<16xi32>
        %add3A_102 = arith.constant 48 : i32
        %add3A_103 = arith.addi %sub3A, %add3A_102 : i32
        %add3A_104 = vector.broadcast %add3A_103 : i32 to vector<16xi32>
        %add3A_105 = arith.addi %iota3A_101, %add3A_104 : vector<16xi32>
        %swap3A_106 = arith.constant 48 : index
        %swap3A_107 = tpu.vector_load %arg7[%swap3A_106] {strides = array<i32>} : memref<128xi32, #tpu.memory_space<vmem>>, vector<16xi32>,
        %swap3A_108 = vector.shape_cast %swap3A_107 : vector<16xi32> to vector<16xi32>
        %swap3A_109 = vector.shape_cast %add3A_105 : vector<16xi32> to vector<16xi32>
        tpu.vector_store %arg7[%swap3A_106], %swap3A_109 {strides = array<i32>} : memref<128xi32, #tpu.memory_space<vmem>>, vector<16xi32>,
        %iota3A_110 = tpu.iota {dimensions = array<i32: 0>} : vector<16xi32>
        %add3A_111 = arith.constant 64 : i32
        %add3A_112 = arith.addi %sub3A, %add3A_111 : i32
        %add3A_113 = vector.broadcast %add3A_112 : i32 to vector<16xi32>
        %add3A_114 = arith.addi %iota3A_110, %add3A_113 : vector<16xi32>
        %swap3A_115 = arith.constant 64 : index
        %swap3A_116 = tpu.vector_load %arg7[%swap3A_115] {strides = array<i32>} : memref<128xi32, #tpu.memory_space<vmem>>, vector<16xi32>,
        %swap3A_117 = vector.shape_cast %swap3A_116 : vector<16xi32> to vector<16xi32>
        %swap3A_118 = vector.shape_cast %add3A_114 : vector<16xi32> to vector<16xi32>
        tpu.vector_store %arg7[%swap3A_115], %swap3A_118 {strides = array<i32>} : memref<128xi32, #tpu.memory_space<vmem>>, vector<16xi32>,
        %iota3A_119 = tpu.iota {dimensions = array<i32: 0>} : vector<16xi32>
        %add3A_120 = arith.constant 80 : i32
        %add3A_121 = arith.addi %sub3A, %add3A_120 : i32
        %add3A_122 = vector.broadcast %add3A_121 : i32 to vector<16xi32>
        %add3A_123 = arith.addi %iota3A_119, %add3A_122 : vector<16xi32>
        %swap3A_124 = arith.constant 80 : index
        %swap3A_125 = tpu.vector_load %arg7[%swap3A_124] {strides = array<i32>} : memref<128xi32, #tpu.memory_space<vmem>>, vector<16xi32>,
        %swap3A_126 = vector.shape_cast %swap3A_125 : vector<16xi32> to vector<16xi32>
        %swap3A_127 = vector.shape_cast %add3A_123 : vector<16xi32> to vector<16xi32>
        tpu.vector_store %arg7[%swap3A_124], %swap3A_127 {strides = array<i32>} : memref<128xi32, #tpu.memory_space<vmem>>, vector<16xi32>,
        %iota3A_128 = tpu.iota {dimensions = array<i32: 0>} : vector<16xi32>
        %add3A_129 = arith.constant 96 : i32
        %add3A_130 = arith.addi %sub3A, %add3A_129 : i32
        %add3A_131 = vector.broadcast %add3A_130 : i32 to vector<16xi32>
        %add3A_132 = arith.addi %iota3A_128, %add3A_131 : vector<16xi32>
        %swap3A_133 = arith.constant 96 : index
        %swap3A_134 = tpu.vector_load %arg7[%swap3A_133] {strides = array<i32>} : memref<128xi32, #tpu.memory_space<vmem>>, vector<16xi32>,
        %swap3A_135 = vector.shape_cast %swap3A_134 : vector<16xi32> to vector<16xi32>
        %swap3A_136 = vector.shape_cast %add3A_132 : vector<16xi32> to vector<16xi32>
        tpu.vector_store %arg7[%swap3A_133], %swap3A_136 {strides = array<i32>} : memref<128xi32, #tpu.memory_space<vmem>>, vector<16xi32>,
        %iota3A_137 = tpu.iota {dimensions = array<i32: 0>} : vector<16xi32>
        %add3A_138 = arith.constant 112 : i32
        %add3A_139 = arith.addi %sub3A, %add3A_138 : i32
        %add3A_140 = vector.broadcast %add3A_139 : i32 to vector<16xi32>
        %add3A_141 = arith.addi %iota3A_137, %add3A_140 : vector<16xi32>
        %swap3A_142 = arith.constant 112 : index
        %swap3A_143 = tpu.vector_load %arg7[%swap3A_142] {strides = array<i32>} : memref<128xi32, #tpu.memory_space<vmem>>, vector<16xi32>,
        %swap3A_144 = vector.shape_cast %swap3A_143 : vector<16xi32> to vector<16xi32>
        %swap3A_145 = vector.shape_cast %add3A_141 : vector<16xi32> to vector<16xi32>
        tpu.vector_store %arg7[%swap3A_142], %swap3A_145 {strides = array<i32>} : memref<128xi32, #tpu.memory_space<vmem>>, vector<16xi32>,
        "tpu.region"() ({
          %run_scoped3A = tpu.sem_alloc : memref<!tpu.dma_semaphore, #tpu.memory_space<semaphore_mem>>
          %dma_start3A = arith.constant 0 : i32
          %dma_start3A_146 = arith.constant 0 : i32
          %dma_start3A_147 = tpu.memref_slice %arg6[%dma_start3A, %dma_start3A_146] : memref<328x128xf32, #tpu.memory_space<vmem>> -> memref<128x128xf32, #tpu.memory_space<vmem>>
          %dma_start3A_148 = arith.constant 0 : i32
          %dma_start3A_149 = arith.constant 0 : i32
          %dma_start3A_150 = tpu.memref_slice %arg9[%dma_start3A_148, %dma_start3A_149] : memref<5248x128xf32, #tpu.memory_space<vmem_shared>> -> memref<5248x128xf32, #tpu.memory_space<vmem_shared>>
          tpu.enqueue_indirect_dma source(%dma_start3A_147 : memref<128x128xf32, #tpu.memory_space<vmem>>) target(%dma_start3A_150 : memref<5248x128xf32, #tpu.memory_space<vmem_shared>>) offsets(%arg7 : memref<128xi32, #tpu.memory_space<vmem>>) semaphore(%run_scoped3A : memref<!tpu.dma_semaphore, #tpu.memory_space<semaphore_mem>>) {add = true}
          %dma_wait3A = arith.constant 0 : i32
          %dma_wait3A_151 = arith.constant 0 : i32
          %dma_wait3A_152 = tpu.memref_slice %arg6[%dma_wait3A, %dma_wait3A_151] : memref<328x128xf32, #tpu.memory_space<vmem>> -> memref<128x128xf32, #tpu.memory_space<vmem>>
          %dma_wait3A_153 = arith.constant 0 : i32
          %dma_wait3A_154 = arith.constant 0 : i32
          %dma_wait3A_155 = tpu.memref_slice %arg9[%dma_wait3A_153, %dma_wait3A_154] : memref<5248x128xf32, #tpu.memory_space<vmem_shared>> -> memref<5248x128xf32, #tpu.memory_space<vmem_shared>>
          tpu.wait_indirect_dma semaphore(%run_scoped3A : memref<!tpu.dma_semaphore, #tpu.memory_space<semaphore_mem>>) src(%dma_wait3A_152 : memref<128x128xf32, #tpu.memory_space<vmem>>) dst(%dma_wait3A_155 : memref<5248x128xf32, #tpu.memory_space<vmem_shared>>)
          tpu.yield
        }) : () -> ()
      } else {
      }
    } else {
    }
    %add3A_15 = arith.constant 32 : i32
    %add3A_16 = arith.addi %arg1, %add3A_15 : i32
    %lt3A_17 = arith.constant 100 : i32
    %lt3A_18 = arith.cmpi slt, %add3A_16, %lt3A_17 : i32
    %convert_element_type3A_19 = arith.extui %lt3A_18 : i1 to i32
    %cond3A_20 = arith.constant 0 : i32
    %cond3A_21 = arith.cmpi ne, %convert_element_type3A_19, %cond3A_20 : i32
    scf.if %cond3A_21 {
      %get3A = arith.index_cast %add3A_16 : i32 to index
      %get3A_60 = tpu.vector_load %arg8[%get3A] {strides = array<i32>} : memref<128xi32, #tpu.memory_space<vmem>>, vector<16xi32>,
      %get3A_61 = vector.shape_cast %get3A_60 : vector<16xi32> to vector<16xi32>
      %slice3A = vector.extract_strided_slice %get3A_61 {offsets = [0], sizes = [1], strides = [1]} : vector<16xi32> to vector<1xi32>
      %squeeze3A = vector.extract %slice3A[0] : i32 from vector<1xi32>
      %eq3A_62 = arith.constant 0 : i32
      %eq3A_63 = arith.cmpi eq, %arg0, %eq3A_62 : i32
      %lt3A_64 = arith.constant 4992 : i32
      %lt3A_65 = arith.cmpi slt, %squeeze3A, %lt3A_64 : i32
      %convert_element_type3A_66 = arith.extui %lt3A_65 : i1 to i32
      %ge3A = arith.constant 4992 : i32
      %ge3A_67 = arith.cmpi sge, %squeeze3A, %ge3A : i32
      %convert_element_type3A_68 = arith.extui %ge3A_67 : i1 to i32
      %select_n3A = arith.select %eq3A_63, %convert_element_type3A_66, %convert_element_type3A_68 : i32
      %eq3A_69 = arith.constant 1 : i32
      %eq3A_70 = arith.cmpi eq, %select_n3A, %eq3A_69 : i32
      %convert_element_type3A_71 = arith.extui %eq3A_70 : i1 to i32
      %cond3A_72 = arith.constant 0 : i32
      %cond3A_73 = arith.cmpi ne, %convert_element_type3A_71, %cond3A_72 : i32
      scf.if %cond3A_73 {
        "tpu.region"() ({
          %run_scoped3A = tpu.sem_alloc : memref<!tpu.dma_semaphore, #tpu.memory_space<semaphore_mem>>
          %dma_start3A = arith.constant 0 : i32
          %dma_start3A_146 = arith.constant 0 : i32
          %dma_start3A_147 = tpu.memref_slice %arg6[%dma_start3A, %dma_start3A_146] : memref<328x128xf32, #tpu.memory_space<vmem>> -> memref<128x128xf32, #tpu.memory_space<vmem>>
          %dma_start3A_148 = arith.constant 0 : i32
          %dma_start3A_149 = arith.constant 0 : i32
          %dma_start3A_150 = tpu.memref_slice %arg2[%add3A_16, %dma_start3A_148, %dma_start3A_149] : memref<100x128x128xf32, #tpu.memory_space<hbm>> -> memref<1x128x128xf32, #tpu.memory_space<hbm>>
          %dma_start3A_151 = tpu.memref_squeeze %dma_start3A_150 : memref<1x128x128xf32, #tpu.memory_space<hbm>> -> memref<128x128xf32, #tpu.memory_space<hbm>>
          %dma_start3A_152 = arith.constant 0 : i32
          %dma_start3A_153 = arith.constant 0 : i32
          %dma_start3A_154 = tpu.memref_slice %arg6[%dma_start3A_152, %dma_start3A_153] : memref<328x128xf32, #tpu.memory_space<vmem>> -> memref<128x128xf32, #tpu.memory_space<vmem>>
          %dma_start3A_155 = arith.constant 0 : i32
          %dma_start3A_156 = arith.constant 0 : i32
          %dma_start3A_157 = tpu.memref_slice %arg2[%add3A_16, %dma_start3A_155, %dma_start3A_156] : memref<100x128x128xf32, #tpu.memory_space<hbm>> -> memref<1x128x128xf32, #tpu.memory_space<hbm>>
          %dma_start3A_158 = tpu.memref_squeeze %dma_start3A_157 : memref<1x128x128xf32, #tpu.memory_space<hbm>> -> memref<128x128xf32, #tpu.memory_space<hbm>>
          tpu.enqueue_dma source(%dma_start3A_158 : memref<128x128xf32, #tpu.memory_space<hbm>>) target(%dma_start3A_154 : memref<128x128xf32, #tpu.memory_space<vmem>>) target_semaphore(%run_scoped3A : memref<!tpu.dma_semaphore, #tpu.memory_space<semaphore_mem>>)
          %dma_wait3A = arith.constant 0 : i32
          %dma_wait3A_159 = arith.constant 0 : i32
          %dma_wait3A_160 = tpu.memref_slice %arg6[%dma_wait3A, %dma_wait3A_159] : memref<328x128xf32, #tpu.memory_space<vmem>> -> memref<128x128xf32, #tpu.memory_space<vmem>>
          %dma_wait3A_161 = arith.constant 0 : i32
          %dma_wait3A_162 = arith.constant 0 : i32
          %dma_wait3A_163 = tpu.memref_slice %arg2[%add3A_16, %dma_wait3A_161, %dma_wait3A_162] : memref<100x128x128xf32, #tpu.memory_space<hbm>> -> memref<1x128x128xf32, #tpu.memory_space<hbm>>
          %dma_wait3A_164 = tpu.memref_squeeze %dma_wait3A_163 : memref<1x128x128xf32, #tpu.memory_space<hbm>> -> memref<128x128xf32, #tpu.memory_space<hbm>>
          %dma_wait3A_165 = arith.constant 0 : i32
          %dma_wait3A_166 = arith.constant 0 : i32
          %dma_wait3A_167 = tpu.memref_slice %arg6[%dma_wait3A_165, %dma_wait3A_166] : memref<328x128xf32, #tpu.memory_space<vmem>> -> memref<128x128xf32, #tpu.memory_space<vmem>>
          %dma_wait3A_168 = arith.constant 0 : i32
          %dma_wait3A_169 = arith.constant 0 : i32
          %dma_wait3A_170 = tpu.memref_slice %arg2[%add3A_16, %dma_wait3A_168, %dma_wait3A_169] : memref<100x128x128xf32, #tpu.memory_space<hbm>> -> memref<1x128x128xf32, #tpu.memory_space<hbm>>
          %dma_wait3A_171 = tpu.memref_squeeze %dma_wait3A_170 : memref<1x128x128xf32, #tpu.memory_space<hbm>> -> memref<128x128xf32, #tpu.memory_space<hbm>>
          tpu.wait_dma2 semaphore(%run_scoped3A : memref<!tpu.dma_semaphore, #tpu.memory_space<semaphore_mem>>) src(%dma_wait3A_171 : memref<128x128xf32, #tpu.memory_space<hbm>>) dst(%dma_wait3A_167 : memref<128x128xf32, #tpu.memory_space<vmem>>)
          tpu.yield
        }) : () -> ()
        %mul3A_74 = arith.constant 4992 : i32
        %mul3A_75 = arith.muli %arg0, %mul3A_74 : i32
        %sub3A = arith.subi %squeeze3A, %mul3A_75 : i32
        %iota3A = tpu.iota {dimensions = array<i32: 0>} : vector<16xi32>
        %add3A_76 = arith.constant 0 : i32
        %add3A_77 = arith.addi %sub3A, %add3A_76 : i32
        %add3A_78 = vector.broadcast %add3A_77 : i32 to vector<16xi32>
        %add3A_79 = arith.addi %iota3A, %add3A_78 : vector<16xi32>
        %swap3A = arith.constant 0 : index
        %swap3A_80 = tpu.vector_load %arg7[%swap3A] {strides = array<i32>} : memref<128xi32, #tpu.memory_space<vmem>>, vector<16xi32>,
        %swap3A_81 = vector.shape_cast %swap3A_80 : vector<16xi32> to vector<16xi32>
        %swap3A_82 = vector.shape_cast %add3A_79 : vector<16xi32> to vector<16xi32>
        tpu.vector_store %arg7[%swap3A], %swap3A_82 {strides = array<i32>} : memref<128xi32, #tpu.memory_space<vmem>>, vector<16xi32>,
        %iota3A_83 = tpu.iota {dimensions = array<i32: 0>} : vector<16xi32>
        %add3A_84 = arith.constant 16 : i32
        %add3A_85 = arith.addi %sub3A, %add3A_84 : i32
        %add3A_86 = vector.broadcast %add3A_85 : i32 to vector<16xi32>
        %add3A_87 = arith.addi %iota3A_83, %add3A_86 : vector<16xi32>
        %swap3A_88 = arith.constant 16 : index
        %swap3A_89 = tpu.vector_load %arg7[%swap3A_88] {strides = array<i32>} : memref<128xi32, #tpu.memory_space<vmem>>, vector<16xi32>,
        %swap3A_90 = vector.shape_cast %swap3A_89 : vector<16xi32> to vector<16xi32>
        %swap3A_91 = vector.shape_cast %add3A_87 : vector<16xi32> to vector<16xi32>
        tpu.vector_store %arg7[%swap3A_88], %swap3A_91 {strides = array<i32>} : memref<128xi32, #tpu.memory_space<vmem>>, vector<16xi32>,
        %iota3A_92 = tpu.iota {dimensions = array<i32: 0>} : vector<16xi32>
        %add3A_93 = arith.constant 32 : i32
        %add3A_94 = arith.addi %sub3A, %add3A_93 : i32
        %add3A_95 = vector.broadcast %add3A_94 : i32 to vector<16xi32>
        %add3A_96 = arith.addi %iota3A_92, %add3A_95 : vector<16xi32>
        %swap3A_97 = arith.constant 32 : index
        %swap3A_98 = tpu.vector_load %arg7[%swap3A_97] {strides = array<i32>} : memref<128xi32, #tpu.memory_space<vmem>>, vector<16xi32>,
        %swap3A_99 = vector.shape_cast %swap3A_98 : vector<16xi32> to vector<16xi32>
        %swap3A_100 = vector.shape_cast %add3A_96 : vector<16xi32> to vector<16xi32>
        tpu.vector_store %arg7[%swap3A_97], %swap3A_100 {strides = array<i32>} : memref<128xi32, #tpu.memory_space<vmem>>, vector<16xi32>,
        %iota3A_101 = tpu.iota {dimensions = array<i32: 0>} : vector<16xi32>
        %add3A_102 = arith.constant 48 : i32
        %add3A_103 = arith.addi %sub3A, %add3A_102 : i32
        %add3A_104 = vector.broadcast %add3A_103 : i32 to vector<16xi32>
        %add3A_105 = arith.addi %iota3A_101, %add3A_104 : vector<16xi32>
        %swap3A_106 = arith.constant 48 : index
        %swap3A_107 = tpu.vector_load %arg7[%swap3A_106] {strides = array<i32>} : memref<128xi32, #tpu.memory_space<vmem>>, vector<16xi32>,
        %swap3A_108 = vector.shape_cast %swap3A_107 : vector<16xi32> to vector<16xi32>
        %swap3A_109 = vector.shape_cast %add3A_105 : vector<16xi32> to vector<16xi32>
        tpu.vector_store %arg7[%swap3A_106], %swap3A_109 {strides = array<i32>} : memref<128xi32, #tpu.memory_space<vmem>>, vector<16xi32>,
        %iota3A_110 = tpu.iota {dimensions = array<i32: 0>} : vector<16xi32>
        %add3A_111 = arith.constant 64 : i32
        %add3A_112 = arith.addi %sub3A, %add3A_111 : i32
        %add3A_113 = vector.broadcast %add3A_112 : i32 to vector<16xi32>
        %add3A_114 = arith.addi %iota3A_110, %add3A_113 : vector<16xi32>
        %swap3A_115 = arith.constant 64 : index
        %swap3A_116 = tpu.vector_load %arg7[%swap3A_115] {strides = array<i32>} : memref<128xi32, #tpu.memory_space<vmem>>, vector<16xi32>,
        %swap3A_117 = vector.shape_cast %swap3A_116 : vector<16xi32> to vector<16xi32>
        %swap3A_118 = vector.shape_cast %add3A_114 : vector<16xi32> to vector<16xi32>
        tpu.vector_store %arg7[%swap3A_115], %swap3A_118 {strides = array<i32>} : memref<128xi32, #tpu.memory_space<vmem>>, vector<16xi32>,
        %iota3A_119 = tpu.iota {dimensions = array<i32: 0>} : vector<16xi32>
        %add3A_120 = arith.constant 80 : i32
        %add3A_121 = arith.addi %sub3A, %add3A_120 : i32
        %add3A_122 = vector.broadcast %add3A_121 : i32 to vector<16xi32>
        %add3A_123 = arith.addi %iota3A_119, %add3A_122 : vector<16xi32>
        %swap3A_124 = arith.constant 80 : index
        %swap3A_125 = tpu.vector_load %arg7[%swap3A_124] {strides = array<i32>} : memref<128xi32, #tpu.memory_space<vmem>>, vector<16xi32>,
        %swap3A_126 = vector.shape_cast %swap3A_125 : vector<16xi32> to vector<16xi32>
        %swap3A_127 = vector.shape_cast %add3A_123 : vector<16xi32> to vector<16xi32>
        tpu.vector_store %arg7[%swap3A_124], %swap3A_127 {strides = array<i32>} : memref<128xi32, #tpu.memory_space<vmem>>, vector<16xi32>,
        %iota3A_128 = tpu.iota {dimensions = array<i32: 0>} : vector<16xi32>
        %add3A_129 = arith.constant 96 : i32
        %add3A_130 = arith.addi %sub3A, %add3A_129 : i32
        %add3A_131 = vector.broadcast %add3A_130 : i32 to vector<16xi32>
        %add3A_132 = arith.addi %iota3A_128, %add3A_131 : vector<16xi32>
        %swap3A_133 = arith.constant 96 : index
        %swap3A_134 = tpu.vector_load %arg7[%swap3A_133] {strides = array<i32>} : memref<128xi32, #tpu.memory_space<vmem>>, vector<16xi32>,
        %swap3A_135 = vector.shape_cast %swap3A_134 : vector<16xi32> to vector<16xi32>
        %swap3A_136 = vector.shape_cast %add3A_132 : vector<16xi32> to vector<16xi32>
        tpu.vector_store %arg7[%swap3A_133], %swap3A_136 {strides = array<i32>} : memref<128xi32, #tpu.memory_space<vmem>>, vector<16xi32>,
        %iota3A_137 = tpu.iota {dimensions = array<i32: 0>} : vector<16xi32>
        %add3A_138 = arith.constant 112 : i32
        %add3A_139 = arith.addi %sub3A, %add3A_138 : i32
        %add3A_140 = vector.broadcast %add3A_139 : i32 to vector<16xi32>
        %add3A_141 = arith.addi %iota3A_137, %add3A_140 : vector<16xi32>
        %swap3A_142 = arith.constant 112 : index
        %swap3A_143 = tpu.vector_load %arg7[%swap3A_142] {strides = array<i32>} : memref<128xi32, #tpu.memory_space<vmem>>, vector<16xi32>,
        %swap3A_144 = vector.shape_cast %swap3A_143 : vector<16xi32> to vector<16xi32>
        %swap3A_145 = vector.shape_cast %add3A_141 : vector<16xi32> to vector<16xi32>
        tpu.vector_store %arg7[%swap3A_142], %swap3A_145 {strides = array<i32>} : memref<128xi32, #tpu.memory_space<vmem>>, vector<16xi32>,
        "tpu.region"() ({
          %run_scoped3A = tpu.sem_alloc : memref<!tpu.dma_semaphore, #tpu.memory_space<semaphore_mem>>
          %dma_start3A = arith.constant 0 : i32
          %dma_start3A_146 = arith.constant 0 : i32
          %dma_start3A_147 = tpu.memref_slice %arg6[%dma_start3A, %dma_start3A_146] : memref<328x128xf32, #tpu.memory_space<vmem>> -> memref<128x128xf32, #tpu.memory_space<vmem>>
          %dma_start3A_148 = arith.constant 0 : i32
          %dma_start3A_149 = arith.constant 0 : i32
          %dma_start3A_150 = tpu.memref_slice %arg9[%dma_start3A_148, %dma_start3A_149] : memref<5248x128xf32, #tpu.memory_space<vmem_shared>> -> memref<5248x128xf32, #tpu.memory_space<vmem_shared>>
          tpu.enqueue_indirect_dma source(%dma_start3A_147 : memref<128x128xf32, #tpu.memory_space<vmem>>) target(%dma_start3A_150 : memref<5248x128xf32, #tpu.memory_space<vmem_shared>>) offsets(%arg7 : memref<128xi32, #tpu.memory_space<vmem>>) semaphore(%run_scoped3A : memref<!tpu.dma_semaphore, #tpu.memory_space<semaphore_mem>>) {add = true}
          %dma_wait3A = arith.constant 0 : i32
          %dma_wait3A_151 = arith.constant 0 : i32
          %dma_wait3A_152 = tpu.memref_slice %arg6[%dma_wait3A, %dma_wait3A_151] : memref<328x128xf32, #tpu.memory_space<vmem>> -> memref<128x128xf32, #tpu.memory_space<vmem>>
          %dma_wait3A_153 = arith.constant 0 : i32
          %dma_wait3A_154 = arith.constant 0 : i32
          %dma_wait3A_155 = tpu.memref_slice %arg9[%dma_wait3A_153, %dma_wait3A_154] : memref<5248x128xf32, #tpu.memory_space<vmem_shared>> -> memref<5248x128xf32, #tpu.memory_space<vmem_shared>>
          tpu.wait_indirect_dma semaphore(%run_scoped3A : memref<!tpu.dma_semaphore, #tpu.memory_space<semaphore_mem>>) src(%dma_wait3A_152 : memref<128x128xf32, #tpu.memory_space<vmem>>) dst(%dma_wait3A_155 : memref<5248x128xf32, #tpu.memory_space<vmem_shared>>)
          tpu.yield
        }) : () -> ()
      } else {
      }
    } else {
    }
    %add3A_22 = arith.constant 48 : i32
    %add3A_23 = arith.addi %arg1, %add3A_22 : i32
    %lt3A_24 = arith.constant 100 : i32
    %lt3A_25 = arith.cmpi slt, %add3A_23, %lt3A_24 : i32
    %convert_element_type3A_26 = arith.extui %lt3A_25 : i1 to i32
    %cond3A_27 = arith.constant 0 : i32
    %cond3A_28 = arith.cmpi ne, %convert_element_type3A_26, %cond3A_27 : i32
    scf.if %cond3A_28 {
      %get3A = arith.index_cast %add3A_23 : i32 to index
      %get3A_60 = tpu.vector_load %arg8[%get3A] {strides = array<i32>} : memref<128xi32, #tpu.memory_space<vmem>>, vector<16xi32>,
      %get3A_61 = vector.shape_cast %get3A_60 : vector<16xi32> to vector<16xi32>
      %slice3A = vector.extract_strided_slice %get3A_61 {offsets = [0], sizes = [1], strides = [1]} : vector<16xi32> to vector<1xi32>
      %squeeze3A = vector.extract %slice3A[0] : i32 from vector<1xi32>
      %eq3A_62 = arith.constant 0 : i32
      %eq3A_63 = arith.cmpi eq, %arg0, %eq3A_62 : i32
      %lt3A_64 = arith.constant 4992 : i32
      %lt3A_65 = arith.cmpi slt, %squeeze3A, %lt3A_64 : i32
      %convert_element_type3A_66 = arith.extui %lt3A_65 : i1 to i32
      %ge3A = arith.constant 4992 : i32
      %ge3A_67 = arith.cmpi sge, %squeeze3A, %ge3A : i32
      %convert_element_type3A_68 = arith.extui %ge3A_67 : i1 to i32
      %select_n3A = arith.select %eq3A_63, %convert_element_type3A_66, %convert_element_type3A_68 : i32
      %eq3A_69 = arith.constant 1 : i32
      %eq3A_70 = arith.cmpi eq, %select_n3A, %eq3A_69 : i32
      %convert_element_type3A_71 = arith.extui %eq3A_70 : i1 to i32
      %cond3A_72 = arith.constant 0 : i32
      %cond3A_73 = arith.cmpi ne, %convert_element_type3A_71, %cond3A_72 : i32
      scf.if %cond3A_73 {
        "tpu.region"() ({
          %run_scoped3A = tpu.sem_alloc : memref<!tpu.dma_semaphore, #tpu.memory_space<semaphore_mem>>
          %dma_start3A = arith.constant 0 : i32
          %dma_start3A_146 = arith.constant 0 : i32
          %dma_start3A_147 = tpu.memref_slice %arg6[%dma_start3A, %dma_start3A_146] : memref<328x128xf32, #tpu.memory_space<vmem>> -> memref<128x128xf32, #tpu.memory_space<vmem>>
          %dma_start3A_148 = arith.constant 0 : i32
          %dma_start3A_149 = arith.constant 0 : i32
          %dma_start3A_150 = tpu.memref_slice %arg2[%add3A_23, %dma_start3A_148, %dma_start3A_149] : memref<100x128x128xf32, #tpu.memory_space<hbm>> -> memref<1x128x128xf32, #tpu.memory_space<hbm>>
          %dma_start3A_151 = tpu.memref_squeeze %dma_start3A_150 : memref<1x128x128xf32, #tpu.memory_space<hbm>> -> memref<128x128xf32, #tpu.memory_space<hbm>>
          %dma_start3A_152 = arith.constant 0 : i32
          %dma_start3A_153 = arith.constant 0 : i32
          %dma_start3A_154 = tpu.memref_slice %arg6[%dma_start3A_152, %dma_start3A_153] : memref<328x128xf32, #tpu.memory_space<vmem>> -> memref<128x128xf32, #tpu.memory_space<vmem>>
          %dma_start3A_155 = arith.constant 0 : i32
          %dma_start3A_156 = arith.constant 0 : i32
          %dma_start3A_157 = tpu.memref_slice %arg2[%add3A_23, %dma_start3A_155, %dma_start3A_156] : memref<100x128x128xf32, #tpu.memory_space<hbm>> -> memref<1x128x128xf32, #tpu.memory_space<hbm>>
          %dma_start3A_158 = tpu.memref_squeeze %dma_start3A_157 : memref<1x128x128xf32, #tpu.memory_space<hbm>> -> memref<128x128xf32, #tpu.memory_space<hbm>>
          tpu.enqueue_dma source(%dma_start3A_158 : memref<128x128xf32, #tpu.memory_space<hbm>>) target(%dma_start3A_154 : memref<128x128xf32, #tpu.memory_space<vmem>>) target_semaphore(%run_scoped3A : memref<!tpu.dma_semaphore, #tpu.memory_space<semaphore_mem>>)
          %dma_wait3A = arith.constant 0 : i32
          %dma_wait3A_159 = arith.constant 0 : i32
          %dma_wait3A_160 = tpu.memref_slice %arg6[%dma_wait3A, %dma_wait3A_159] : memref<328x128xf32, #tpu.memory_space<vmem>> -> memref<128x128xf32, #tpu.memory_space<vmem>>
          %dma_wait3A_161 = arith.constant 0 : i32
          %dma_wait3A_162 = arith.constant 0 : i32
          %dma_wait3A_163 = tpu.memref_slice %arg2[%add3A_23, %dma_wait3A_161, %dma_wait3A_162] : memref<100x128x128xf32, #tpu.memory_space<hbm>> -> memref<1x128x128xf32, #tpu.memory_space<hbm>>
          %dma_wait3A_164 = tpu.memref_squeeze %dma_wait3A_163 : memref<1x128x128xf32, #tpu.memory_space<hbm>> -> memref<128x128xf32, #tpu.memory_space<hbm>>
          %dma_wait3A_165 = arith.constant 0 : i32
          %dma_wait3A_166 = arith.constant 0 : i32
          %dma_wait3A_167 = tpu.memref_slice %arg6[%dma_wait3A_165, %dma_wait3A_166] : memref<328x128xf32, #tpu.memory_space<vmem>> -> memref<128x128xf32, #tpu.memory_space<vmem>>
          %dma_wait3A_168 = arith.constant 0 : i32
          %dma_wait3A_169 = arith.constant 0 : i32
          %dma_wait3A_170 = tpu.memref_slice %arg2[%add3A_23, %dma_wait3A_168, %dma_wait3A_169] : memref<100x128x128xf32, #tpu.memory_space<hbm>> -> memref<1x128x128xf32, #tpu.memory_space<hbm>>
          %dma_wait3A_171 = tpu.memref_squeeze %dma_wait3A_170 : memref<1x128x128xf32, #tpu.memory_space<hbm>> -> memref<128x128xf32, #tpu.memory_space<hbm>>
          tpu.wait_dma2 semaphore(%run_scoped3A : memref<!tpu.dma_semaphore, #tpu.memory_space<semaphore_mem>>) src(%dma_wait3A_171 : memref<128x128xf32, #tpu.memory_space<hbm>>) dst(%dma_wait3A_167 : memref<128x128xf32, #tpu.memory_space<vmem>>)
          tpu.yield
        }) : () -> ()
        %mul3A_74 = arith.constant 4992 : i32
        %mul3A_75 = arith.muli %arg0, %mul3A_74 : i32
        %sub3A = arith.subi %squeeze3A, %mul3A_75 : i32
        %iota3A = tpu.iota {dimensions = array<i32: 0>} : vector<16xi32>
        %add3A_76 = arith.constant 0 : i32
        %add3A_77 = arith.addi %sub3A, %add3A_76 : i32
        %add3A_78 = vector.broadcast %add3A_77 : i32 to vector<16xi32>
        %add3A_79 = arith.addi %iota3A, %add3A_78 : vector<16xi32>
        %swap3A = arith.constant 0 : index
        %swap3A_80 = tpu.vector_load %arg7[%swap3A] {strides = array<i32>} : memref<128xi32, #tpu.memory_space<vmem>>, vector<16xi32>,
        %swap3A_81 = vector.shape_cast %swap3A_80 : vector<16xi32> to vector<16xi32>
        %swap3A_82 = vector.shape_cast %add3A_79 : vector<16xi32> to vector<16xi32>
        tpu.vector_store %arg7[%swap3A], %swap3A_82 {strides = array<i32>} : memref<128xi32, #tpu.memory_space<vmem>>, vector<16xi32>,
        %iota3A_83 = tpu.iota {dimensions = array<i32: 0>} : vector<16xi32>
        %add3A_84 = arith.constant 16 : i32
        %add3A_85 = arith.addi %sub3A, %add3A_84 : i32
        %add3A_86 = vector.broadcast %add3A_85 : i32 to vector<16xi32>
        %add3A_87 = arith.addi %iota3A_83, %add3A_86 : vector<16xi32>
        %swap3A_88 = arith.constant 16 : index
        %swap3A_89 = tpu.vector_load %arg7[%swap3A_88] {strides = array<i32>} : memref<128xi32, #tpu.memory_space<vmem>>, vector<16xi32>,
        %swap3A_90 = vector.shape_cast %swap3A_89 : vector<16xi32> to vector<16xi32>
        %swap3A_91 = vector.shape_cast %add3A_87 : vector<16xi32> to vector<16xi32>
        tpu.vector_store %arg7[%swap3A_88], %swap3A_91 {strides = array<i32>} : memref<128xi32, #tpu.memory_space<vmem>>, vector<16xi32>,
        %iota3A_92 = tpu.iota {dimensions = array<i32: 0>} : vector<16xi32>
        %add3A_93 = arith.constant 32 : i32
        %add3A_94 = arith.addi %sub3A, %add3A_93 : i32
        %add3A_95 = vector.broadcast %add3A_94 : i32 to vector<16xi32>
        %add3A_96 = arith.addi %iota3A_92, %add3A_95 : vector<16xi32>
        %swap3A_97 = arith.constant 32 : index
        %swap3A_98 = tpu.vector_load %arg7[%swap3A_97] {strides = array<i32>} : memref<128xi32, #tpu.memory_space<vmem>>, vector<16xi32>,
        %swap3A_99 = vector.shape_cast %swap3A_98 : vector<16xi32> to vector<16xi32>
        %swap3A_100 = vector.shape_cast %add3A_96 : vector<16xi32> to vector<16xi32>
        tpu.vector_store %arg7[%swap3A_97], %swap3A_100 {strides = array<i32>} : memref<128xi32, #tpu.memory_space<vmem>>, vector<16xi32>,
        %iota3A_101 = tpu.iota {dimensions = array<i32: 0>} : vector<16xi32>
        %add3A_102 = arith.constant 48 : i32
        %add3A_103 = arith.addi %sub3A, %add3A_102 : i32
        %add3A_104 = vector.broadcast %add3A_103 : i32 to vector<16xi32>
        %add3A_105 = arith.addi %iota3A_101, %add3A_104 : vector<16xi32>
        %swap3A_106 = arith.constant 48 : index
        %swap3A_107 = tpu.vector_load %arg7[%swap3A_106] {strides = array<i32>} : memref<128xi32, #tpu.memory_space<vmem>>, vector<16xi32>,
        %swap3A_108 = vector.shape_cast %swap3A_107 : vector<16xi32> to vector<16xi32>
        %swap3A_109 = vector.shape_cast %add3A_105 : vector<16xi32> to vector<16xi32>
        tpu.vector_store %arg7[%swap3A_106], %swap3A_109 {strides = array<i32>} : memref<128xi32, #tpu.memory_space<vmem>>, vector<16xi32>,
        %iota3A_110 = tpu.iota {dimensions = array<i32: 0>} : vector<16xi32>
        %add3A_111 = arith.constant 64 : i32
        %add3A_112 = arith.addi %sub3A, %add3A_111 : i32
        %add3A_113 = vector.broadcast %add3A_112 : i32 to vector<16xi32>
        %add3A_114 = arith.addi %iota3A_110, %add3A_113 : vector<16xi32>
        %swap3A_115 = arith.constant 64 : index
        %swap3A_116 = tpu.vector_load %arg7[%swap3A_115] {strides = array<i32>} : memref<128xi32, #tpu.memory_space<vmem>>, vector<16xi32>,
        %swap3A_117 = vector.shape_cast %swap3A_116 : vector<16xi32> to vector<16xi32>
        %swap3A_118 = vector.shape_cast %add3A_114 : vector<16xi32> to vector<16xi32>
        tpu.vector_store %arg7[%swap3A_115], %swap3A_118 {strides = array<i32>} : memref<128xi32, #tpu.memory_space<vmem>>, vector<16xi32>,
        %iota3A_119 = tpu.iota {dimensions = array<i32: 0>} : vector<16xi32>
        %add3A_120 = arith.constant 80 : i32
        %add3A_121 = arith.addi %sub3A, %add3A_120 : i32
        %add3A_122 = vector.broadcast %add3A_121 : i32 to vector<16xi32>
        %add3A_123 = arith.addi %iota3A_119, %add3A_122 : vector<16xi32>
        %swap3A_124 = arith.constant 80 : index
        %swap3A_125 = tpu.vector_load %arg7[%swap3A_124] {strides = array<i32>} : memref<128xi32, #tpu.memory_space<vmem>>, vector<16xi32>,
        %swap3A_126 = vector.shape_cast %swap3A_125 : vector<16xi32> to vector<16xi32>
        %swap3A_127 = vector.shape_cast %add3A_123 : vector<16xi32> to vector<16xi32>
        tpu.vector_store %arg7[%swap3A_124], %swap3A_127 {strides = array<i32>} : memref<128xi32, #tpu.memory_space<vmem>>, vector<16xi32>,
        %iota3A_128 = tpu.iota {dimensions = array<i32: 0>} : vector<16xi32>
        %add3A_129 = arith.constant 96 : i32
        %add3A_130 = arith.addi %sub3A, %add3A_129 : i32
        %add3A_131 = vector.broadcast %add3A_130 : i32 to vector<16xi32>
        %add3A_132 = arith.addi %iota3A_128, %add3A_131 : vector<16xi32>
        %swap3A_133 = arith.constant 96 : index
        %swap3A_134 = tpu.vector_load %arg7[%swap3A_133] {strides = array<i32>} : memref<128xi32, #tpu.memory_space<vmem>>, vector<16xi32>,
        %swap3A_135 = vector.shape_cast %swap3A_134 : vector<16xi32> to vector<16xi32>
        %swap3A_136 = vector.shape_cast %add3A_132 : vector<16xi32> to vector<16xi32>
        tpu.vector_store %arg7[%swap3A_133], %swap3A_136 {strides = array<i32>} : memref<128xi32, #tpu.memory_space<vmem>>, vector<16xi32>,
        %iota3A_137 = tpu.iota {dimensions = array<i32: 0>} : vector<16xi32>
        %add3A_138 = arith.constant 112 : i32
        %add3A_139 = arith.addi %sub3A, %add3A_138 : i32
        %add3A_140 = vector.broadcast %add3A_139 : i32 to vector<16xi32>
        %add3A_141 = arith.addi %iota3A_137, %add3A_140 : vector<16xi32>
        %swap3A_142 = arith.constant 112 : index
        %swap3A_143 = tpu.vector_load %arg7[%swap3A_142] {strides = array<i32>} : memref<128xi32, #tpu.memory_space<vmem>>, vector<16xi32>,
        %swap3A_144 = vector.shape_cast %swap3A_143 : vector<16xi32> to vector<16xi32>
        %swap3A_145 = vector.shape_cast %add3A_141 : vector<16xi32> to vector<16xi32>
        tpu.vector_store %arg7[%swap3A_142], %swap3A_145 {strides = array<i32>} : memref<128xi32, #tpu.memory_space<vmem>>, vector<16xi32>,
        "tpu.region"() ({
          %run_scoped3A = tpu.sem_alloc : memref<!tpu.dma_semaphore, #tpu.memory_space<semaphore_mem>>
          %dma_start3A = arith.constant 0 : i32
          %dma_start3A_146 = arith.constant 0 : i32
          %dma_start3A_147 = tpu.memref_slice %arg6[%dma_start3A, %dma_start3A_146] : memref<328x128xf32, #tpu.memory_space<vmem>> -> memref<128x128xf32, #tpu.memory_space<vmem>>
          %dma_start3A_148 = arith.constant 0 : i32
          %dma_start3A_149 = arith.constant 0 : i32
          %dma_start3A_150 = tpu.memref_slice %arg9[%dma_start3A_148, %dma_start3A_149] : memref<5248x128xf32, #tpu.memory_space<vmem_shared>> -> memref<5248x128xf32, #tpu.memory_space<vmem_shared>>
          tpu.enqueue_indirect_dma source(%dma_start3A_147 : memref<128x128xf32, #tpu.memory_space<vmem>>) target(%dma_start3A_150 : memref<5248x128xf32, #tpu.memory_space<vmem_shared>>) offsets(%arg7 : memref<128xi32, #tpu.memory_space<vmem>>) semaphore(%run_scoped3A : memref<!tpu.dma_semaphore, #tpu.memory_space<semaphore_mem>>) {add = true}
          %dma_wait3A = arith.constant 0 : i32
          %dma_wait3A_151 = arith.constant 0 : i32
          %dma_wait3A_152 = tpu.memref_slice %arg6[%dma_wait3A, %dma_wait3A_151] : memref<328x128xf32, #tpu.memory_space<vmem>> -> memref<128x128xf32, #tpu.memory_space<vmem>>
          %dma_wait3A_153 = arith.constant 0 : i32
          %dma_wait3A_154 = arith.constant 0 : i32
          %dma_wait3A_155 = tpu.memref_slice %arg9[%dma_wait3A_153, %dma_wait3A_154] : memref<5248x128xf32, #tpu.memory_space<vmem_shared>> -> memref<5248x128xf32, #tpu.memory_space<vmem_shared>>
          tpu.wait_indirect_dma semaphore(%run_scoped3A : memref<!tpu.dma_semaphore, #tpu.memory_space<semaphore_mem>>) src(%dma_wait3A_152 : memref<128x128xf32, #tpu.memory_space<vmem>>) dst(%dma_wait3A_155 : memref<5248x128xf32, #tpu.memory_space<vmem_shared>>)
          tpu.yield
        }) : () -> ()
      } else {
      }
    } else {
    }
    %add3A_29 = arith.constant 64 : i32
    %add3A_30 = arith.addi %arg1, %add3A_29 : i32
    %lt3A_31 = arith.constant 100 : i32
    %lt3A_32 = arith.cmpi slt, %add3A_30, %lt3A_31 : i32
    %convert_element_type3A_33 = arith.extui %lt3A_32 : i1 to i32
    %cond3A_34 = arith.constant 0 : i32
    %cond3A_35 = arith.cmpi ne, %convert_element_type3A_33, %cond3A_34 : i32
    scf.if %cond3A_35 {
      %get3A = arith.index_cast %add3A_30 : i32 to index
      %get3A_60 = tpu.vector_load %arg8[%get3A] {strides = array<i32>} : memref<128xi32, #tpu.memory_space<vmem>>, vector<16xi32>,
      %get3A_61 = vector.shape_cast %get3A_60 : vector<16xi32> to vector<16xi32>
      %slice3A = vector.extract_strided_slice %get3A_61 {offsets = [0], sizes = [1], strides = [1]} : vector<16xi32> to vector<1xi32>
      %squeeze3A = vector.extract %slice3A[0] : i32 from vector<1xi32>
      %eq3A_62 = arith.constant 0 : i32
      %eq3A_63 = arith.cmpi eq, %arg0, %eq3A_62 : i32
      %lt3A_64 = arith.constant 4992 : i32
      %lt3A_65 = arith.cmpi slt, %squeeze3A, %lt3A_64 : i32
      %convert_element_type3A_66 = arith.extui %lt3A_65 : i1 to i32
      %ge3A = arith.constant 4992 : i32
      %ge3A_67 = arith.cmpi sge, %squeeze3A, %ge3A : i32
      %convert_element_type3A_68 = arith.extui %ge3A_67 : i1 to i32
      %select_n3A = arith.select %eq3A_63, %convert_element_type3A_66, %convert_element_type3A_68 : i32
      %eq3A_69 = arith.constant 1 : i32
      %eq3A_70 = arith.cmpi eq, %select_n3A, %eq3A_69 : i32
      %convert_element_type3A_71 = arith.extui %eq3A_70 : i1 to i32
      %cond3A_72 = arith.constant 0 : i32
      %cond3A_73 = arith.cmpi ne, %convert_element_type3A_71, %cond3A_72 : i32
      scf.if %cond3A_73 {
        "tpu.region"() ({
          %run_scoped3A = tpu.sem_alloc : memref<!tpu.dma_semaphore, #tpu.memory_space<semaphore_mem>>
          %dma_start3A = arith.constant 0 : i32
          %dma_start3A_146 = arith.constant 0 : i32
          %dma_start3A_147 = tpu.memref_slice %arg6[%dma_start3A, %dma_start3A_146] : memref<328x128xf32, #tpu.memory_space<vmem>> -> memref<128x128xf32, #tpu.memory_space<vmem>>
          %dma_start3A_148 = arith.constant 0 : i32
          %dma_start3A_149 = arith.constant 0 : i32
          %dma_start3A_150 = tpu.memref_slice %arg2[%add3A_30, %dma_start3A_148, %dma_start3A_149] : memref<100x128x128xf32, #tpu.memory_space<hbm>> -> memref<1x128x128xf32, #tpu.memory_space<hbm>>
          %dma_start3A_151 = tpu.memref_squeeze %dma_start3A_150 : memref<1x128x128xf32, #tpu.memory_space<hbm>> -> memref<128x128xf32, #tpu.memory_space<hbm>>
          %dma_start3A_152 = arith.constant 0 : i32
          %dma_start3A_153 = arith.constant 0 : i32
          %dma_start3A_154 = tpu.memref_slice %arg6[%dma_start3A_152, %dma_start3A_153] : memref<328x128xf32, #tpu.memory_space<vmem>> -> memref<128x128xf32, #tpu.memory_space<vmem>>
          %dma_start3A_155 = arith.constant 0 : i32
          %dma_start3A_156 = arith.constant 0 : i32
          %dma_start3A_157 = tpu.memref_slice %arg2[%add3A_30, %dma_start3A_155, %dma_start3A_156] : memref<100x128x128xf32, #tpu.memory_space<hbm>> -> memref<1x128x128xf32, #tpu.memory_space<hbm>>
          %dma_start3A_158 = tpu.memref_squeeze %dma_start3A_157 : memref<1x128x128xf32, #tpu.memory_space<hbm>> -> memref<128x128xf32, #tpu.memory_space<hbm>>
          tpu.enqueue_dma source(%dma_start3A_158 : memref<128x128xf32, #tpu.memory_space<hbm>>) target(%dma_start3A_154 : memref<128x128xf32, #tpu.memory_space<vmem>>) target_semaphore(%run_scoped3A : memref<!tpu.dma_semaphore, #tpu.memory_space<semaphore_mem>>)
          %dma_wait3A = arith.constant 0 : i32
          %dma_wait3A_159 = arith.constant 0 : i32
          %dma_wait3A_160 = tpu.memref_slice %arg6[%dma_wait3A, %dma_wait3A_159] : memref<328x128xf32, #tpu.memory_space<vmem>> -> memref<128x128xf32, #tpu.memory_space<vmem>>
          %dma_wait3A_161 = arith.constant 0 : i32
          %dma_wait3A_162 = arith.constant 0 : i32
          %dma_wait3A_163 = tpu.memref_slice %arg2[%add3A_30, %dma_wait3A_161, %dma_wait3A_162] : memref<100x128x128xf32, #tpu.memory_space<hbm>> -> memref<1x128x128xf32, #tpu.memory_space<hbm>>
          %dma_wait3A_164 = tpu.memref_squeeze %dma_wait3A_163 : memref<1x128x128xf32, #tpu.memory_space<hbm>> -> memref<128x128xf32, #tpu.memory_space<hbm>>
          %dma_wait3A_165 = arith.constant 0 : i32
          %dma_wait3A_166 = arith.constant 0 : i32
          %dma_wait3A_167 = tpu.memref_slice %arg6[%dma_wait3A_165, %dma_wait3A_166] : memref<328x128xf32, #tpu.memory_space<vmem>> -> memref<128x128xf32, #tpu.memory_space<vmem>>
          %dma_wait3A_168 = arith.constant 0 : i32
          %dma_wait3A_169 = arith.constant 0 : i32
          %dma_wait3A_170 = tpu.memref_slice %arg2[%add3A_30, %dma_wait3A_168, %dma_wait3A_169] : memref<100x128x128xf32, #tpu.memory_space<hbm>> -> memref<1x128x128xf32, #tpu.memory_space<hbm>>
          %dma_wait3A_171 = tpu.memref_squeeze %dma_wait3A_170 : memref<1x128x128xf32, #tpu.memory_space<hbm>> -> memref<128x128xf32, #tpu.memory_space<hbm>>
          tpu.wait_dma2 semaphore(%run_scoped3A : memref<!tpu.dma_semaphore, #tpu.memory_space<semaphore_mem>>) src(%dma_wait3A_171 : memref<128x128xf32, #tpu.memory_space<hbm>>) dst(%dma_wait3A_167 : memref<128x128xf32, #tpu.memory_space<vmem>>)
          tpu.yield
        }) : () -> ()
        %mul3A_74 = arith.constant 4992 : i32
        %mul3A_75 = arith.muli %arg0, %mul3A_74 : i32
        %sub3A = arith.subi %squeeze3A, %mul3A_75 : i32
        %iota3A = tpu.iota {dimensions = array<i32: 0>} : vector<16xi32>
        %add3A_76 = arith.constant 0 : i32
        %add3A_77 = arith.addi %sub3A, %add3A_76 : i32
        %add3A_78 = vector.broadcast %add3A_77 : i32 to vector<16xi32>
        %add3A_79 = arith.addi %iota3A, %add3A_78 : vector<16xi32>
        %swap3A = arith.constant 0 : index
        %swap3A_80 = tpu.vector_load %arg7[%swap3A] {strides = array<i32>} : memref<128xi32, #tpu.memory_space<vmem>>, vector<16xi32>,
        %swap3A_81 = vector.shape_cast %swap3A_80 : vector<16xi32> to vector<16xi32>
        %swap3A_82 = vector.shape_cast %add3A_79 : vector<16xi32> to vector<16xi32>
        tpu.vector_store %arg7[%swap3A], %swap3A_82 {strides = array<i32>} : memref<128xi32, #tpu.memory_space<vmem>>, vector<16xi32>,
        %iota3A_83 = tpu.iota {dimensions = array<i32: 0>} : vector<16xi32>
        %add3A_84 = arith.constant 16 : i32
        %add3A_85 = arith.addi %sub3A, %add3A_84 : i32
        %add3A_86 = vector.broadcast %add3A_85 : i32 to vector<16xi32>
        %add3A_87 = arith.addi %iota3A_83, %add3A_86 : vector<16xi32>
        %swap3A_88 = arith.constant 16 : index
        %swap3A_89 = tpu.vector_load %arg7[%swap3A_88] {strides = array<i32>} : memref<128xi32, #tpu.memory_space<vmem>>, vector<16xi32>,
        %swap3A_90 = vector.shape_cast %swap3A_89 : vector<16xi32> to vector<16xi32>
        %swap3A_91 = vector.shape_cast %add3A_87 : vector<16xi32> to vector<16xi32>
        tpu.vector_store %arg7[%swap3A_88], %swap3A_91 {strides = array<i32>} : memref<128xi32, #tpu.memory_space<vmem>>, vector<16xi32>,
        %iota3A_92 = tpu.iota {dimensions = array<i32: 0>} : vector<16xi32>
        %add3A_93 = arith.constant 32 : i32
        %add3A_94 = arith.addi %sub3A, %add3A_93 : i32
        %add3A_95 = vector.broadcast %add3A_94 : i32 to vector<16xi32>
        %add3A_96 = arith.addi %iota3A_92, %add3A_95 : vector<16xi32>
        %swap3A_97 = arith.constant 32 : index
        %swap3A_98 = tpu.vector_load %arg7[%swap3A_97] {strides = array<i32>} : memref<128xi32, #tpu.memory_space<vmem>>, vector<16xi32>,
        %swap3A_99 = vector.shape_cast %swap3A_98 : vector<16xi32> to vector<16xi32>
        %swap3A_100 = vector.shape_cast %add3A_96 : vector<16xi32> to vector<16xi32>
        tpu.vector_store %arg7[%swap3A_97], %swap3A_100 {strides = array<i32>} : memref<128xi32, #tpu.memory_space<vmem>>, vector<16xi32>,
        %iota3A_101 = tpu.iota {dimensions = array<i32: 0>} : vector<16xi32>
        %add3A_102 = arith.constant 48 : i32
        %add3A_103 = arith.addi %sub3A, %add3A_102 : i32
        %add3A_104 = vector.broadcast %add3A_103 : i32 to vector<16xi32>
        %add3A_105 = arith.addi %iota3A_101, %add3A_104 : vector<16xi32>
        %swap3A_106 = arith.constant 48 : index
        %swap3A_107 = tpu.vector_load %arg7[%swap3A_106] {strides = array<i32>} : memref<128xi32, #tpu.memory_space<vmem>>, vector<16xi32>,
        %swap3A_108 = vector.shape_cast %swap3A_107 : vector<16xi32> to vector<16xi32>
        %swap3A_109 = vector.shape_cast %add3A_105 : vector<16xi32> to vector<16xi32>
        tpu.vector_store %arg7[%swap3A_106], %swap3A_109 {strides = array<i32>} : memref<128xi32, #tpu.memory_space<vmem>>, vector<16xi32>,
        %iota3A_110 = tpu.iota {dimensions = array<i32: 0>} : vector<16xi32>
        %add3A_111 = arith.constant 64 : i32
        %add3A_112 = arith.addi %sub3A, %add3A_111 : i32
        %add3A_113 = vector.broadcast %add3A_112 : i32 to vector<16xi32>
        %add3A_114 = arith.addi %iota3A_110, %add3A_113 : vector<16xi32>
        %swap3A_115 = arith.constant 64 : index
        %swap3A_116 = tpu.vector_load %arg7[%swap3A_115] {strides = array<i32>} : memref<128xi32, #tpu.memory_space<vmem>>, vector<16xi32>,
        %swap3A_117 = vector.shape_cast %swap3A_116 : vector<16xi32> to vector<16xi32>
        %swap3A_118 = vector.shape_cast %add3A_114 : vector<16xi32> to vector<16xi32>
        tpu.vector_store %arg7[%swap3A_115], %swap3A_118 {strides = array<i32>} : memref<128xi32, #tpu.memory_space<vmem>>, vector<16xi32>,
        %iota3A_119 = tpu.iota {dimensions = array<i32: 0>} : vector<16xi32>
        %add3A_120 = arith.constant 80 : i32
        %add3A_121 = arith.addi %sub3A, %add3A_120 : i32
        %add3A_122 = vector.broadcast %add3A_121 : i32 to vector<16xi32>
        %add3A_123 = arith.addi %iota3A_119, %add3A_122 : vector<16xi32>
        %swap3A_124 = arith.constant 80 : index
        %swap3A_125 = tpu.vector_load %arg7[%swap3A_124] {strides = array<i32>} : memref<128xi32, #tpu.memory_space<vmem>>, vector<16xi32>,
        %swap3A_126 = vector.shape_cast %swap3A_125 : vector<16xi32> to vector<16xi32>
        %swap3A_127 = vector.shape_cast %add3A_123 : vector<16xi32> to vector<16xi32>
        tpu.vector_store %arg7[%swap3A_124], %swap3A_127 {strides = array<i32>} : memref<128xi32, #tpu.memory_space<vmem>>, vector<16xi32>,
        %iota3A_128 = tpu.iota {dimensions = array<i32: 0>} : vector<16xi32>
        %add3A_129 = arith.constant 96 : i32
        %add3A_130 = arith.addi %sub3A, %add3A_129 : i32
        %add3A_131 = vector.broadcast %add3A_130 : i32 to vector<16xi32>
        %add3A_132 = arith.addi %iota3A_128, %add3A_131 : vector<16xi32>
        %swap3A_133 = arith.constant 96 : index
        %swap3A_134 = tpu.vector_load %arg7[%swap3A_133] {strides = array<i32>} : memref<128xi32, #tpu.memory_space<vmem>>, vector<16xi32>,
        %swap3A_135 = vector.shape_cast %swap3A_134 : vector<16xi32> to vector<16xi32>
        %swap3A_136 = vector.shape_cast %add3A_132 : vector<16xi32> to vector<16xi32>
        tpu.vector_store %arg7[%swap3A_133], %swap3A_136 {strides = array<i32>} : memref<128xi32, #tpu.memory_space<vmem>>, vector<16xi32>,
        %iota3A_137 = tpu.iota {dimensions = array<i32: 0>} : vector<16xi32>
        %add3A_138 = arith.constant 112 : i32
        %add3A_139 = arith.addi %sub3A, %add3A_138 : i32
        %add3A_140 = vector.broadcast %add3A_139 : i32 to vector<16xi32>
        %add3A_141 = arith.addi %iota3A_137, %add3A_140 : vector<16xi32>
        %swap3A_142 = arith.constant 112 : index
        %swap3A_143 = tpu.vector_load %arg7[%swap3A_142] {strides = array<i32>} : memref<128xi32, #tpu.memory_space<vmem>>, vector<16xi32>,
        %swap3A_144 = vector.shape_cast %swap3A_143 : vector<16xi32> to vector<16xi32>
        %swap3A_145 = vector.shape_cast %add3A_141 : vector<16xi32> to vector<16xi32>
        tpu.vector_store %arg7[%swap3A_142], %swap3A_145 {strides = array<i32>} : memref<128xi32, #tpu.memory_space<vmem>>, vector<16xi32>,
        "tpu.region"() ({
          %run_scoped3A = tpu.sem_alloc : memref<!tpu.dma_semaphore, #tpu.memory_space<semaphore_mem>>
          %dma_start3A = arith.constant 0 : i32
          %dma_start3A_146 = arith.constant 0 : i32
          %dma_start3A_147 = tpu.memref_slice %arg6[%dma_start3A, %dma_start3A_146] : memref<328x128xf32, #tpu.memory_space<vmem>> -> memref<128x128xf32, #tpu.memory_space<vmem>>
          %dma_start3A_148 = arith.constant 0 : i32
          %dma_start3A_149 = arith.constant 0 : i32
          %dma_start3A_150 = tpu.memref_slice %arg9[%dma_start3A_148, %dma_start3A_149] : memref<5248x128xf32, #tpu.memory_space<vmem_shared>> -> memref<5248x128xf32, #tpu.memory_space<vmem_shared>>
          tpu.enqueue_indirect_dma source(%dma_start3A_147 : memref<128x128xf32, #tpu.memory_space<vmem>>) target(%dma_start3A_150 : memref<5248x128xf32, #tpu.memory_space<vmem_shared>>) offsets(%arg7 : memref<128xi32, #tpu.memory_space<vmem>>) semaphore(%run_scoped3A : memref<!tpu.dma_semaphore, #tpu.memory_space<semaphore_mem>>) {add = true}
          %dma_wait3A = arith.constant 0 : i32
          %dma_wait3A_151 = arith.constant 0 : i32
          %dma_wait3A_152 = tpu.memref_slice %arg6[%dma_wait3A, %dma_wait3A_151] : memref<328x128xf32, #tpu.memory_space<vmem>> -> memref<128x128xf32, #tpu.memory_space<vmem>>
          %dma_wait3A_153 = arith.constant 0 : i32
          %dma_wait3A_154 = arith.constant 0 : i32
          %dma_wait3A_155 = tpu.memref_slice %arg9[%dma_wait3A_153, %dma_wait3A_154] : memref<5248x128xf32, #tpu.memory_space<vmem_shared>> -> memref<5248x128xf32, #tpu.memory_space<vmem_shared>>
          tpu.wait_indirect_dma semaphore(%run_scoped3A : memref<!tpu.dma_semaphore, #tpu.memory_space<semaphore_mem>>) src(%dma_wait3A_152 : memref<128x128xf32, #tpu.memory_space<vmem>>) dst(%dma_wait3A_155 : memref<5248x128xf32, #tpu.memory_space<vmem_shared>>)
          tpu.yield
        }) : () -> ()
      } else {
      }
    } else {
    }
    %add3A_36 = arith.constant 80 : i32
    %add3A_37 = arith.addi %arg1, %add3A_36 : i32
    %lt3A_38 = arith.constant 100 : i32
    %lt3A_39 = arith.cmpi slt, %add3A_37, %lt3A_38 : i32
    %convert_element_type3A_40 = arith.extui %lt3A_39 : i1 to i32
    %cond3A_41 = arith.constant 0 : i32
    %cond3A_42 = arith.cmpi ne, %convert_element_type3A_40, %cond3A_41 : i32
    scf.if %cond3A_42 {
      %get3A = arith.index_cast %add3A_37 : i32 to index
      %get3A_60 = tpu.vector_load %arg8[%get3A] {strides = array<i32>} : memref<128xi32, #tpu.memory_space<vmem>>, vector<16xi32>,
      %get3A_61 = vector.shape_cast %get3A_60 : vector<16xi32> to vector<16xi32>
      %slice3A = vector.extract_strided_slice %get3A_61 {offsets = [0], sizes = [1], strides = [1]} : vector<16xi32> to vector<1xi32>
      %squeeze3A = vector.extract %slice3A[0] : i32 from vector<1xi32>
      %eq3A_62 = arith.constant 0 : i32
      %eq3A_63 = arith.cmpi eq, %arg0, %eq3A_62 : i32
      %lt3A_64 = arith.constant 4992 : i32
      %lt3A_65 = arith.cmpi slt, %squeeze3A, %lt3A_64 : i32
      %convert_element_type3A_66 = arith.extui %lt3A_65 : i1 to i32
      %ge3A = arith.constant 4992 : i32
      %ge3A_67 = arith.cmpi sge, %squeeze3A, %ge3A : i32
      %convert_element_type3A_68 = arith.extui %ge3A_67 : i1 to i32
      %select_n3A = arith.select %eq3A_63, %convert_element_type3A_66, %convert_element_type3A_68 : i32
      %eq3A_69 = arith.constant 1 : i32
      %eq3A_70 = arith.cmpi eq, %select_n3A, %eq3A_69 : i32
      %convert_element_type3A_71 = arith.extui %eq3A_70 : i1 to i32
      %cond3A_72 = arith.constant 0 : i32
      %cond3A_73 = arith.cmpi ne, %convert_element_type3A_71, %cond3A_72 : i32
      scf.if %cond3A_73 {
        "tpu.region"() ({
          %run_scoped3A = tpu.sem_alloc : memref<!tpu.dma_semaphore, #tpu.memory_space<semaphore_mem>>
          %dma_start3A = arith.constant 0 : i32
          %dma_start3A_146 = arith.constant 0 : i32
          %dma_start3A_147 = tpu.memref_slice %arg6[%dma_start3A, %dma_start3A_146] : memref<328x128xf32, #tpu.memory_space<vmem>> -> memref<128x128xf32, #tpu.memory_space<vmem>>
          %dma_start3A_148 = arith.constant 0 : i32
          %dma_start3A_149 = arith.constant 0 : i32
          %dma_start3A_150 = tpu.memref_slice %arg2[%add3A_37, %dma_start3A_148, %dma_start3A_149] : memref<100x128x128xf32, #tpu.memory_space<hbm>> -> memref<1x128x128xf32, #tpu.memory_space<hbm>>
          %dma_start3A_151 = tpu.memref_squeeze %dma_start3A_150 : memref<1x128x128xf32, #tpu.memory_space<hbm>> -> memref<128x128xf32, #tpu.memory_space<hbm>>
          %dma_start3A_152 = arith.constant 0 : i32
          %dma_start3A_153 = arith.constant 0 : i32
          %dma_start3A_154 = tpu.memref_slice %arg6[%dma_start3A_152, %dma_start3A_153] : memref<328x128xf32, #tpu.memory_space<vmem>> -> memref<128x128xf32, #tpu.memory_space<vmem>>
          %dma_start3A_155 = arith.constant 0 : i32
          %dma_start3A_156 = arith.constant 0 : i32
          %dma_start3A_157 = tpu.memref_slice %arg2[%add3A_37, %dma_start3A_155, %dma_start3A_156] : memref<100x128x128xf32, #tpu.memory_space<hbm>> -> memref<1x128x128xf32, #tpu.memory_space<hbm>>
          %dma_start3A_158 = tpu.memref_squeeze %dma_start3A_157 : memref<1x128x128xf32, #tpu.memory_space<hbm>> -> memref<128x128xf32, #tpu.memory_space<hbm>>
          tpu.enqueue_dma source(%dma_start3A_158 : memref<128x128xf32, #tpu.memory_space<hbm>>) target(%dma_start3A_154 : memref<128x128xf32, #tpu.memory_space<vmem>>) target_semaphore(%run_scoped3A : memref<!tpu.dma_semaphore, #tpu.memory_space<semaphore_mem>>)
          %dma_wait3A = arith.constant 0 : i32
          %dma_wait3A_159 = arith.constant 0 : i32
          %dma_wait3A_160 = tpu.memref_slice %arg6[%dma_wait3A, %dma_wait3A_159] : memref<328x128xf32, #tpu.memory_space<vmem>> -> memref<128x128xf32, #tpu.memory_space<vmem>>
          %dma_wait3A_161 = arith.constant 0 : i32
          %dma_wait3A_162 = arith.constant 0 : i32
          %dma_wait3A_163 = tpu.memref_slice %arg2[%add3A_37, %dma_wait3A_161, %dma_wait3A_162] : memref<100x128x128xf32, #tpu.memory_space<hbm>> -> memref<1x128x128xf32, #tpu.memory_space<hbm>>
          %dma_wait3A_164 = tpu.memref_squeeze %dma_wait3A_163 : memref<1x128x128xf32, #tpu.memory_space<hbm>> -> memref<128x128xf32, #tpu.memory_space<hbm>>
          %dma_wait3A_165 = arith.constant 0 : i32
          %dma_wait3A_166 = arith.constant 0 : i32
          %dma_wait3A_167 = tpu.memref_slice %arg6[%dma_wait3A_165, %dma_wait3A_166] : memref<328x128xf32, #tpu.memory_space<vmem>> -> memref<128x128xf32, #tpu.memory_space<vmem>>
          %dma_wait3A_168 = arith.constant 0 : i32
          %dma_wait3A_169 = arith.constant 0 : i32
          %dma_wait3A_170 = tpu.memref_slice %arg2[%add3A_37, %dma_wait3A_168, %dma_wait3A_169] : memref<100x128x128xf32, #tpu.memory_space<hbm>> -> memref<1x128x128xf32, #tpu.memory_space<hbm>>
          %dma_wait3A_171 = tpu.memref_squeeze %dma_wait3A_170 : memref<1x128x128xf32, #tpu.memory_space<hbm>> -> memref<128x128xf32, #tpu.memory_space<hbm>>
          tpu.wait_dma2 semaphore(%run_scoped3A : memref<!tpu.dma_semaphore, #tpu.memory_space<semaphore_mem>>) src(%dma_wait3A_171 : memref<128x128xf32, #tpu.memory_space<hbm>>) dst(%dma_wait3A_167 : memref<128x128xf32, #tpu.memory_space<vmem>>)
          tpu.yield
        }) : () -> ()
        %mul3A_74 = arith.constant 4992 : i32
        %mul3A_75 = arith.muli %arg0, %mul3A_74 : i32
        %sub3A = arith.subi %squeeze3A, %mul3A_75 : i32
        %iota3A = tpu.iota {dimensions = array<i32: 0>} : vector<16xi32>
        %add3A_76 = arith.constant 0 : i32
        %add3A_77 = arith.addi %sub3A, %add3A_76 : i32
        %add3A_78 = vector.broadcast %add3A_77 : i32 to vector<16xi32>
        %add3A_79 = arith.addi %iota3A, %add3A_78 : vector<16xi32>
        %swap3A = arith.constant 0 : index
        %swap3A_80 = tpu.vector_load %arg7[%swap3A] {strides = array<i32>} : memref<128xi32, #tpu.memory_space<vmem>>, vector<16xi32>,
        %swap3A_81 = vector.shape_cast %swap3A_80 : vector<16xi32> to vector<16xi32>
        %swap3A_82 = vector.shape_cast %add3A_79 : vector<16xi32> to vector<16xi32>
        tpu.vector_store %arg7[%swap3A], %swap3A_82 {strides = array<i32>} : memref<128xi32, #tpu.memory_space<vmem>>, vector<16xi32>,
        %iota3A_83 = tpu.iota {dimensions = array<i32: 0>} : vector<16xi32>
        %add3A_84 = arith.constant 16 : i32
        %add3A_85 = arith.addi %sub3A, %add3A_84 : i32
        %add3A_86 = vector.broadcast %add3A_85 : i32 to vector<16xi32>
        %add3A_87 = arith.addi %iota3A_83, %add3A_86 : vector<16xi32>
        %swap3A_88 = arith.constant 16 : index
        %swap3A_89 = tpu.vector_load %arg7[%swap3A_88] {strides = array<i32>} : memref<128xi32, #tpu.memory_space<vmem>>, vector<16xi32>,
        %swap3A_90 = vector.shape_cast %swap3A_89 : vector<16xi32> to vector<16xi32>
        %swap3A_91 = vector.shape_cast %add3A_87 : vector<16xi32> to vector<16xi32>
        tpu.vector_store %arg7[%swap3A_88], %swap3A_91 {strides = array<i32>} : memref<128xi32, #tpu.memory_space<vmem>>, vector<16xi32>,
        %iota3A_92 = tpu.iota {dimensions = array<i32: 0>} : vector<16xi32>
        %add3A_93 = arith.constant 32 : i32
        %add3A_94 = arith.addi %sub3A, %add3A_93 : i32
        %add3A_95 = vector.broadcast %add3A_94 : i32 to vector<16xi32>
        %add3A_96 = arith.addi %iota3A_92, %add3A_95 : vector<16xi32>
        %swap3A_97 = arith.constant 32 : index
        %swap3A_98 = tpu.vector_load %arg7[%swap3A_97] {strides = array<i32>} : memref<128xi32, #tpu.memory_space<vmem>>, vector<16xi32>,
        %swap3A_99 = vector.shape_cast %swap3A_98 : vector<16xi32> to vector<16xi32>
        %swap3A_100 = vector.shape_cast %add3A_96 : vector<16xi32> to vector<16xi32>
        tpu.vector_store %arg7[%swap3A_97], %swap3A_100 {strides = array<i32>} : memref<128xi32, #tpu.memory_space<vmem>>, vector<16xi32>,
        %iota3A_101 = tpu.iota {dimensions = array<i32: 0>} : vector<16xi32>
        %add3A_102 = arith.constant 48 : i32
        %add3A_103 = arith.addi %sub3A, %add3A_102 : i32
        %add3A_104 = vector.broadcast %add3A_103 : i32 to vector<16xi32>
        %add3A_105 = arith.addi %iota3A_101, %add3A_104 : vector<16xi32>
        %swap3A_106 = arith.constant 48 : index
        %swap3A_107 = tpu.vector_load %arg7[%swap3A_106] {strides = array<i32>} : memref<128xi32, #tpu.memory_space<vmem>>, vector<16xi32>,
        %swap3A_108 = vector.shape_cast %swap3A_107 : vector<16xi32> to vector<16xi32>
        %swap3A_109 = vector.shape_cast %add3A_105 : vector<16xi32> to vector<16xi32>
        tpu.vector_store %arg7[%swap3A_106], %swap3A_109 {strides = array<i32>} : memref<128xi32, #tpu.memory_space<vmem>>, vector<16xi32>,
        %iota3A_110 = tpu.iota {dimensions = array<i32: 0>} : vector<16xi32>
        %add3A_111 = arith.constant 64 : i32
        %add3A_112 = arith.addi %sub3A, %add3A_111 : i32
        %add3A_113 = vector.broadcast %add3A_112 : i32 to vector<16xi32>
        %add3A_114 = arith.addi %iota3A_110, %add3A_113 : vector<16xi32>
        %swap3A_115 = arith.constant 64 : index
        %swap3A_116 = tpu.vector_load %arg7[%swap3A_115] {strides = array<i32>} : memref<128xi32, #tpu.memory_space<vmem>>, vector<16xi32>,
        %swap3A_117 = vector.shape_cast %swap3A_116 : vector<16xi32> to vector<16xi32>
        %swap3A_118 = vector.shape_cast %add3A_114 : vector<16xi32> to vector<16xi32>
        tpu.vector_store %arg7[%swap3A_115], %swap3A_118 {strides = array<i32>} : memref<128xi32, #tpu.memory_space<vmem>>, vector<16xi32>,
        %iota3A_119 = tpu.iota {dimensions = array<i32: 0>} : vector<16xi32>
        %add3A_120 = arith.constant 80 : i32
        %add3A_121 = arith.addi %sub3A, %add3A_120 : i32
        %add3A_122 = vector.broadcast %add3A_121 : i32 to vector<16xi32>
        %add3A_123 = arith.addi %iota3A_119, %add3A_122 : vector<16xi32>
        %swap3A_124 = arith.constant 80 : index
        %swap3A_125 = tpu.vector_load %arg7[%swap3A_124] {strides = array<i32>} : memref<128xi32, #tpu.memory_space<vmem>>, vector<16xi32>,
        %swap3A_126 = vector.shape_cast %swap3A_125 : vector<16xi32> to vector<16xi32>
        %swap3A_127 = vector.shape_cast %add3A_123 : vector<16xi32> to vector<16xi32>
        tpu.vector_store %arg7[%swap3A_124], %swap3A_127 {strides = array<i32>} : memref<128xi32, #tpu.memory_space<vmem>>, vector<16xi32>,
        %iota3A_128 = tpu.iota {dimensions = array<i32: 0>} : vector<16xi32>
        %add3A_129 = arith.constant 96 : i32
        %add3A_130 = arith.addi %sub3A, %add3A_129 : i32
        %add3A_131 = vector.broadcast %add3A_130 : i32 to vector<16xi32>
        %add3A_132 = arith.addi %iota3A_128, %add3A_131 : vector<16xi32>
        %swap3A_133 = arith.constant 96 : index
        %swap3A_134 = tpu.vector_load %arg7[%swap3A_133] {strides = array<i32>} : memref<128xi32, #tpu.memory_space<vmem>>, vector<16xi32>,
        %swap3A_135 = vector.shape_cast %swap3A_134 : vector<16xi32> to vector<16xi32>
        %swap3A_136 = vector.shape_cast %add3A_132 : vector<16xi32> to vector<16xi32>
        tpu.vector_store %arg7[%swap3A_133], %swap3A_136 {strides = array<i32>} : memref<128xi32, #tpu.memory_space<vmem>>, vector<16xi32>,
        %iota3A_137 = tpu.iota {dimensions = array<i32: 0>} : vector<16xi32>
        %add3A_138 = arith.constant 112 : i32
        %add3A_139 = arith.addi %sub3A, %add3A_138 : i32
        %add3A_140 = vector.broadcast %add3A_139 : i32 to vector<16xi32>
        %add3A_141 = arith.addi %iota3A_137, %add3A_140 : vector<16xi32>
        %swap3A_142 = arith.constant 112 : index
        %swap3A_143 = tpu.vector_load %arg7[%swap3A_142] {strides = array<i32>} : memref<128xi32, #tpu.memory_space<vmem>>, vector<16xi32>,
        %swap3A_144 = vector.shape_cast %swap3A_143 : vector<16xi32> to vector<16xi32>
        %swap3A_145 = vector.shape_cast %add3A_141 : vector<16xi32> to vector<16xi32>
        tpu.vector_store %arg7[%swap3A_142], %swap3A_145 {strides = array<i32>} : memref<128xi32, #tpu.memory_space<vmem>>, vector<16xi32>,
        "tpu.region"() ({
          %run_scoped3A = tpu.sem_alloc : memref<!tpu.dma_semaphore, #tpu.memory_space<semaphore_mem>>
          %dma_start3A = arith.constant 0 : i32
          %dma_start3A_146 = arith.constant 0 : i32
          %dma_start3A_147 = tpu.memref_slice %arg6[%dma_start3A, %dma_start3A_146] : memref<328x128xf32, #tpu.memory_space<vmem>> -> memref<128x128xf32, #tpu.memory_space<vmem>>
          %dma_start3A_148 = arith.constant 0 : i32
          %dma_start3A_149 = arith.constant 0 : i32
          %dma_start3A_150 = tpu.memref_slice %arg9[%dma_start3A_148, %dma_start3A_149] : memref<5248x128xf32, #tpu.memory_space<vmem_shared>> -> memref<5248x128xf32, #tpu.memory_space<vmem_shared>>
          tpu.enqueue_indirect_dma source(%dma_start3A_147 : memref<128x128xf32, #tpu.memory_space<vmem>>) target(%dma_start3A_150 : memref<5248x128xf32, #tpu.memory_space<vmem_shared>>) offsets(%arg7 : memref<128xi32, #tpu.memory_space<vmem>>) semaphore(%run_scoped3A : memref<!tpu.dma_semaphore, #tpu.memory_space<semaphore_mem>>) {add = true}
          %dma_wait3A = arith.constant 0 : i32
          %dma_wait3A_151 = arith.constant 0 : i32
          %dma_wait3A_152 = tpu.memref_slice %arg6[%dma_wait3A, %dma_wait3A_151] : memref<328x128xf32, #tpu.memory_space<vmem>> -> memref<128x128xf32, #tpu.memory_space<vmem>>
          %dma_wait3A_153 = arith.constant 0 : i32
          %dma_wait3A_154 = arith.constant 0 : i32
          %dma_wait3A_155 = tpu.memref_slice %arg9[%dma_wait3A_153, %dma_wait3A_154] : memref<5248x128xf32, #tpu.memory_space<vmem_shared>> -> memref<5248x128xf32, #tpu.memory_space<vmem_shared>>
          tpu.wait_indirect_dma semaphore(%run_scoped3A : memref<!tpu.dma_semaphore, #tpu.memory_space<semaphore_mem>>) src(%dma_wait3A_152 : memref<128x128xf32, #tpu.memory_space<vmem>>) dst(%dma_wait3A_155 : memref<5248x128xf32, #tpu.memory_space<vmem_shared>>)
          tpu.yield
        }) : () -> ()
      } else {
      }
    } else {
    }
    %add3A_43 = arith.constant 96 : i32
    %add3A_44 = arith.addi %arg1, %add3A_43 : i32
    %lt3A_45 = arith.constant 100 : i32
    %lt3A_46 = arith.cmpi slt, %add3A_44, %lt3A_45 : i32
    %convert_element_type3A_47 = arith.extui %lt3A_46 : i1 to i32
    %cond3A_48 = arith.constant 0 : i32
    %cond3A_49 = arith.cmpi ne, %convert_element_type3A_47, %cond3A_48 : i32
    scf.if %cond3A_49 {
      %get3A = arith.index_cast %add3A_44 : i32 to index
      %get3A_60 = tpu.vector_load %arg8[%get3A] {strides = array<i32>} : memref<128xi32, #tpu.memory_space<vmem>>, vector<16xi32>,
      %get3A_61 = vector.shape_cast %get3A_60 : vector<16xi32> to vector<16xi32>
      %slice3A = vector.extract_strided_slice %get3A_61 {offsets = [0], sizes = [1], strides = [1]} : vector<16xi32> to vector<1xi32>
      %squeeze3A = vector.extract %slice3A[0] : i32 from vector<1xi32>
      %eq3A_62 = arith.constant 0 : i32
      %eq3A_63 = arith.cmpi eq, %arg0, %eq3A_62 : i32
      %lt3A_64 = arith.constant 4992 : i32
      %lt3A_65 = arith.cmpi slt, %squeeze3A, %lt3A_64 : i32
      %convert_element_type3A_66 = arith.extui %lt3A_65 : i1 to i32
      %ge3A = arith.constant 4992 : i32
      %ge3A_67 = arith.cmpi sge, %squeeze3A, %ge3A : i32
      %convert_element_type3A_68 = arith.extui %ge3A_67 : i1 to i32
      %select_n3A = arith.select %eq3A_63, %convert_element_type3A_66, %convert_element_type3A_68 : i32
      %eq3A_69 = arith.constant 1 : i32
      %eq3A_70 = arith.cmpi eq, %select_n3A, %eq3A_69 : i32
      %convert_element_type3A_71 = arith.extui %eq3A_70 : i1 to i32
      %cond3A_72 = arith.constant 0 : i32
      %cond3A_73 = arith.cmpi ne, %convert_element_type3A_71, %cond3A_72 : i32
      scf.if %cond3A_73 {
        "tpu.region"() ({
          %run_scoped3A = tpu.sem_alloc : memref<!tpu.dma_semaphore, #tpu.memory_space<semaphore_mem>>
          %dma_start3A = arith.constant 0 : i32
          %dma_start3A_146 = arith.constant 0 : i32
          %dma_start3A_147 = tpu.memref_slice %arg6[%dma_start3A, %dma_start3A_146] : memref<328x128xf32, #tpu.memory_space<vmem>> -> memref<128x128xf32, #tpu.memory_space<vmem>>
          %dma_start3A_148 = arith.constant 0 : i32
          %dma_start3A_149 = arith.constant 0 : i32
          %dma_start3A_150 = tpu.memref_slice %arg2[%add3A_44, %dma_start3A_148, %dma_start3A_149] : memref<100x128x128xf32, #tpu.memory_space<hbm>> -> memref<1x128x128xf32, #tpu.memory_space<hbm>>
          %dma_start3A_151 = tpu.memref_squeeze %dma_start3A_150 : memref<1x128x128xf32, #tpu.memory_space<hbm>> -> memref<128x128xf32, #tpu.memory_space<hbm>>
          %dma_start3A_152 = arith.constant 0 : i32
          %dma_start3A_153 = arith.constant 0 : i32
          %dma_start3A_154 = tpu.memref_slice %arg6[%dma_start3A_152, %dma_start3A_153] : memref<328x128xf32, #tpu.memory_space<vmem>> -> memref<128x128xf32, #tpu.memory_space<vmem>>
          %dma_start3A_155 = arith.constant 0 : i32
          %dma_start3A_156 = arith.constant 0 : i32
          %dma_start3A_157 = tpu.memref_slice %arg2[%add3A_44, %dma_start3A_155, %dma_start3A_156] : memref<100x128x128xf32, #tpu.memory_space<hbm>> -> memref<1x128x128xf32, #tpu.memory_space<hbm>>
          %dma_start3A_158 = tpu.memref_squeeze %dma_start3A_157 : memref<1x128x128xf32, #tpu.memory_space<hbm>> -> memref<128x128xf32, #tpu.memory_space<hbm>>
          tpu.enqueue_dma source(%dma_start3A_158 : memref<128x128xf32, #tpu.memory_space<hbm>>) target(%dma_start3A_154 : memref<128x128xf32, #tpu.memory_space<vmem>>) target_semaphore(%run_scoped3A : memref<!tpu.dma_semaphore, #tpu.memory_space<semaphore_mem>>)
          %dma_wait3A = arith.constant 0 : i32
          %dma_wait3A_159 = arith.constant 0 : i32
          %dma_wait3A_160 = tpu.memref_slice %arg6[%dma_wait3A, %dma_wait3A_159] : memref<328x128xf32, #tpu.memory_space<vmem>> -> memref<128x128xf32, #tpu.memory_space<vmem>>
          %dma_wait3A_161 = arith.constant 0 : i32
          %dma_wait3A_162 = arith.constant 0 : i32
          %dma_wait3A_163 = tpu.memref_slice %arg2[%add3A_44, %dma_wait3A_161, %dma_wait3A_162] : memref<100x128x128xf32, #tpu.memory_space<hbm>> -> memref<1x128x128xf32, #tpu.memory_space<hbm>>
          %dma_wait3A_164 = tpu.memref_squeeze %dma_wait3A_163 : memref<1x128x128xf32, #tpu.memory_space<hbm>> -> memref<128x128xf32, #tpu.memory_space<hbm>>
          %dma_wait3A_165 = arith.constant 0 : i32
          %dma_wait3A_166 = arith.constant 0 : i32
          %dma_wait3A_167 = tpu.memref_slice %arg6[%dma_wait3A_165, %dma_wait3A_166] : memref<328x128xf32, #tpu.memory_space<vmem>> -> memref<128x128xf32, #tpu.memory_space<vmem>>
          %dma_wait3A_168 = arith.constant 0 : i32
          %dma_wait3A_169 = arith.constant 0 : i32
          %dma_wait3A_170 = tpu.memref_slice %arg2[%add3A_44, %dma_wait3A_168, %dma_wait3A_169] : memref<100x128x128xf32, #tpu.memory_space<hbm>> -> memref<1x128x128xf32, #tpu.memory_space<hbm>>
          %dma_wait3A_171 = tpu.memref_squeeze %dma_wait3A_170 : memref<1x128x128xf32, #tpu.memory_space<hbm>> -> memref<128x128xf32, #tpu.memory_space<hbm>>
          tpu.wait_dma2 semaphore(%run_scoped3A : memref<!tpu.dma_semaphore, #tpu.memory_space<semaphore_mem>>) src(%dma_wait3A_171 : memref<128x128xf32, #tpu.memory_space<hbm>>) dst(%dma_wait3A_167 : memref<128x128xf32, #tpu.memory_space<vmem>>)
          tpu.yield
        }) : () -> ()
        %mul3A_74 = arith.constant 4992 : i32
        %mul3A_75 = arith.muli %arg0, %mul3A_74 : i32
        %sub3A = arith.subi %squeeze3A, %mul3A_75 : i32
        %iota3A = tpu.iota {dimensions = array<i32: 0>} : vector<16xi32>
        %add3A_76 = arith.constant 0 : i32
        %add3A_77 = arith.addi %sub3A, %add3A_76 : i32
        %add3A_78 = vector.broadcast %add3A_77 : i32 to vector<16xi32>
        %add3A_79 = arith.addi %iota3A, %add3A_78 : vector<16xi32>
        %swap3A = arith.constant 0 : index
        %swap3A_80 = tpu.vector_load %arg7[%swap3A] {strides = array<i32>} : memref<128xi32, #tpu.memory_space<vmem>>, vector<16xi32>,
        %swap3A_81 = vector.shape_cast %swap3A_80 : vector<16xi32> to vector<16xi32>
        %swap3A_82 = vector.shape_cast %add3A_79 : vector<16xi32> to vector<16xi32>
        tpu.vector_store %arg7[%swap3A], %swap3A_82 {strides = array<i32>} : memref<128xi32, #tpu.memory_space<vmem>>, vector<16xi32>,
        %iota3A_83 = tpu.iota {dimensions = array<i32: 0>} : vector<16xi32>
        %add3A_84 = arith.constant 16 : i32
        %add3A_85 = arith.addi %sub3A, %add3A_84 : i32
        %add3A_86 = vector.broadcast %add3A_85 : i32 to vector<16xi32>
        %add3A_87 = arith.addi %iota3A_83, %add3A_86 : vector<16xi32>
        %swap3A_88 = arith.constant 16 : index
        %swap3A_89 = tpu.vector_load %arg7[%swap3A_88] {strides = array<i32>} : memref<128xi32, #tpu.memory_space<vmem>>, vector<16xi32>,
        %swap3A_90 = vector.shape_cast %swap3A_89 : vector<16xi32> to vector<16xi32>
        %swap3A_91 = vector.shape_cast %add3A_87 : vector<16xi32> to vector<16xi32>
        tpu.vector_store %arg7[%swap3A_88], %swap3A_91 {strides = array<i32>} : memref<128xi32, #tpu.memory_space<vmem>>, vector<16xi32>,
        %iota3A_92 = tpu.iota {dimensions = array<i32: 0>} : vector<16xi32>
        %add3A_93 = arith.constant 32 : i32
        %add3A_94 = arith.addi %sub3A, %add3A_93 : i32
        %add3A_95 = vector.broadcast %add3A_94 : i32 to vector<16xi32>
        %add3A_96 = arith.addi %iota3A_92, %add3A_95 : vector<16xi32>
        %swap3A_97 = arith.constant 32 : index
        %swap3A_98 = tpu.vector_load %arg7[%swap3A_97] {strides = array<i32>} : memref<128xi32, #tpu.memory_space<vmem>>, vector<16xi32>,
        %swap3A_99 = vector.shape_cast %swap3A_98 : vector<16xi32> to vector<16xi32>
        %swap3A_100 = vector.shape_cast %add3A_96 : vector<16xi32> to vector<16xi32>
        tpu.vector_store %arg7[%swap3A_97], %swap3A_100 {strides = array<i32>} : memref<128xi32, #tpu.memory_space<vmem>>, vector<16xi32>,
        %iota3A_101 = tpu.iota {dimensions = array<i32: 0>} : vector<16xi32>
        %add3A_102 = arith.constant 48 : i32
        %add3A_103 = arith.addi %sub3A, %add3A_102 : i32
        %add3A_104 = vector.broadcast %add3A_103 : i32 to vector<16xi32>
        %add3A_105 = arith.addi %iota3A_101, %add3A_104 : vector<16xi32>
        %swap3A_106 = arith.constant 48 : index
        %swap3A_107 = tpu.vector_load %arg7[%swap3A_106] {strides = array<i32>} : memref<128xi32, #tpu.memory_space<vmem>>, vector<16xi32>,
        %swap3A_108 = vector.shape_cast %swap3A_107 : vector<16xi32> to vector<16xi32>
        %swap3A_109 = vector.shape_cast %add3A_105 : vector<16xi32> to vector<16xi32>
        tpu.vector_store %arg7[%swap3A_106], %swap3A_109 {strides = array<i32>} : memref<128xi32, #tpu.memory_space<vmem>>, vector<16xi32>,
        %iota3A_110 = tpu.iota {dimensions = array<i32: 0>} : vector<16xi32>
        %add3A_111 = arith.constant 64 : i32
        %add3A_112 = arith.addi %sub3A, %add3A_111 : i32
        %add3A_113 = vector.broadcast %add3A_112 : i32 to vector<16xi32>
        %add3A_114 = arith.addi %iota3A_110, %add3A_113 : vector<16xi32>
        %swap3A_115 = arith.constant 64 : index
        %swap3A_116 = tpu.vector_load %arg7[%swap3A_115] {strides = array<i32>} : memref<128xi32, #tpu.memory_space<vmem>>, vector<16xi32>,
        %swap3A_117 = vector.shape_cast %swap3A_116 : vector<16xi32> to vector<16xi32>
        %swap3A_118 = vector.shape_cast %add3A_114 : vector<16xi32> to vector<16xi32>
        tpu.vector_store %arg7[%swap3A_115], %swap3A_118 {strides = array<i32>} : memref<128xi32, #tpu.memory_space<vmem>>, vector<16xi32>,
        %iota3A_119 = tpu.iota {dimensions = array<i32: 0>} : vector<16xi32>
        %add3A_120 = arith.constant 80 : i32
        %add3A_121 = arith.addi %sub3A, %add3A_120 : i32
        %add3A_122 = vector.broadcast %add3A_121 : i32 to vector<16xi32>
        %add3A_123 = arith.addi %iota3A_119, %add3A_122 : vector<16xi32>
        %swap3A_124 = arith.constant 80 : index
        %swap3A_125 = tpu.vector_load %arg7[%swap3A_124] {strides = array<i32>} : memref<128xi32, #tpu.memory_space<vmem>>, vector<16xi32>,
        %swap3A_126 = vector.shape_cast %swap3A_125 : vector<16xi32> to vector<16xi32>
        %swap3A_127 = vector.shape_cast %add3A_123 : vector<16xi32> to vector<16xi32>
        tpu.vector_store %arg7[%swap3A_124], %swap3A_127 {strides = array<i32>} : memref<128xi32, #tpu.memory_space<vmem>>, vector<16xi32>,
        %iota3A_128 = tpu.iota {dimensions = array<i32: 0>} : vector<16xi32>
        %add3A_129 = arith.constant 96 : i32
        %add3A_130 = arith.addi %sub3A, %add3A_129 : i32
        %add3A_131 = vector.broadcast %add3A_130 : i32 to vector<16xi32>
        %add3A_132 = arith.addi %iota3A_128, %add3A_131 : vector<16xi32>
        %swap3A_133 = arith.constant 96 : index
        %swap3A_134 = tpu.vector_load %arg7[%swap3A_133] {strides = array<i32>} : memref<128xi32, #tpu.memory_space<vmem>>, vector<16xi32>,
        %swap3A_135 = vector.shape_cast %swap3A_134 : vector<16xi32> to vector<16xi32>
        %swap3A_136 = vector.shape_cast %add3A_132 : vector<16xi32> to vector<16xi32>
        tpu.vector_store %arg7[%swap3A_133], %swap3A_136 {strides = array<i32>} : memref<128xi32, #tpu.memory_space<vmem>>, vector<16xi32>,
        %iota3A_137 = tpu.iota {dimensions = array<i32: 0>} : vector<16xi32>
        %add3A_138 = arith.constant 112 : i32
        %add3A_139 = arith.addi %sub3A, %add3A_138 : i32
        %add3A_140 = vector.broadcast %add3A_139 : i32 to vector<16xi32>
        %add3A_141 = arith.addi %iota3A_137, %add3A_140 : vector<16xi32>
        %swap3A_142 = arith.constant 112 : index
        %swap3A_143 = tpu.vector_load %arg7[%swap3A_142] {strides = array<i32>} : memref<128xi32, #tpu.memory_space<vmem>>, vector<16xi32>,
        %swap3A_144 = vector.shape_cast %swap3A_143 : vector<16xi32> to vector<16xi32>
        %swap3A_145 = vector.shape_cast %add3A_141 : vector<16xi32> to vector<16xi32>
        tpu.vector_store %arg7[%swap3A_142], %swap3A_145 {strides = array<i32>} : memref<128xi32, #tpu.memory_space<vmem>>, vector<16xi32>,
        "tpu.region"() ({
          %run_scoped3A = tpu.sem_alloc : memref<!tpu.dma_semaphore, #tpu.memory_space<semaphore_mem>>
          %dma_start3A = arith.constant 0 : i32
          %dma_start3A_146 = arith.constant 0 : i32
          %dma_start3A_147 = tpu.memref_slice %arg6[%dma_start3A, %dma_start3A_146] : memref<328x128xf32, #tpu.memory_space<vmem>> -> memref<128x128xf32, #tpu.memory_space<vmem>>
          %dma_start3A_148 = arith.constant 0 : i32
          %dma_start3A_149 = arith.constant 0 : i32
          %dma_start3A_150 = tpu.memref_slice %arg9[%dma_start3A_148, %dma_start3A_149] : memref<5248x128xf32, #tpu.memory_space<vmem_shared>> -> memref<5248x128xf32, #tpu.memory_space<vmem_shared>>
          tpu.enqueue_indirect_dma source(%dma_start3A_147 : memref<128x128xf32, #tpu.memory_space<vmem>>) target(%dma_start3A_150 : memref<5248x128xf32, #tpu.memory_space<vmem_shared>>) offsets(%arg7 : memref<128xi32, #tpu.memory_space<vmem>>) semaphore(%run_scoped3A : memref<!tpu.dma_semaphore, #tpu.memory_space<semaphore_mem>>) {add = true}
          %dma_wait3A = arith.constant 0 : i32
          %dma_wait3A_151 = arith.constant 0 : i32
          %dma_wait3A_152 = tpu.memref_slice %arg6[%dma_wait3A, %dma_wait3A_151] : memref<328x128xf32, #tpu.memory_space<vmem>> -> memref<128x128xf32, #tpu.memory_space<vmem>>
          %dma_wait3A_153 = arith.constant 0 : i32
          %dma_wait3A_154 = arith.constant 0 : i32
          %dma_wait3A_155 = tpu.memref_slice %arg9[%dma_wait3A_153, %dma_wait3A_154] : memref<5248x128xf32, #tpu.memory_space<vmem_shared>> -> memref<5248x128xf32, #tpu.memory_space<vmem_shared>>
          tpu.wait_indirect_dma semaphore(%run_scoped3A : memref<!tpu.dma_semaphore, #tpu.memory_space<semaphore_mem>>) src(%dma_wait3A_152 : memref<128x128xf32, #tpu.memory_space<vmem>>) dst(%dma_wait3A_155 : memref<5248x128xf32, #tpu.memory_space<vmem_shared>>)
          tpu.yield
        }) : () -> ()
      } else {
      }
    } else {
    }
    %barrier3A_50 = arith.constant 0 : index
    tpu.barrier barrier_id(%barrier3A_50)
    %eq3A = arith.constant 0 : i32
    %eq3A_51 = arith.cmpi eq, %arg0, %eq3A : i32
    %convert_element_type3A_52 = arith.extui %eq3A_51 : i1 to i32
    %cond3A_53 = arith.constant 0 : i32
    %cond3A_54 = arith.cmpi ne, %convert_element_type3A_52, %cond3A_53 : i32
    scf.if %cond3A_54 {
      %mul3A_60 = arith.constant 328 : i32
      %mul3A_61 = arith.muli %arg1, %mul3A_60 : i32
      %mul3A_62 = arith.constant 328 : i32
      %mul3A_63 = arith.muli %arg1, %mul3A_62 : i32
      "tpu.region"() ({
        %run_scoped3A = tpu.sem_alloc : memref<!tpu.dma_semaphore, #tpu.memory_space<semaphore_mem>>
        %dma_start3A = arith.constant 0 : i32
        %dma_start3A_64 = tpu.memref_slice %arg4[%mul3A_63, %dma_start3A] : memref<5248x128xf32, #tpu.memory_space<hbm>> -> memref<328x128xf32, #tpu.memory_space<hbm>>
        %dma_start3A_65 = arith.constant 0 : i32
        %dma_start3A_66 = tpu.memref_slice %arg9[%mul3A_61, %dma_start3A_65] : memref<5248x128xf32, #tpu.memory_space<vmem_shared>> -> memref<328x128xf32, #tpu.memory_space<vmem_shared>>
        tpu.enqueue_dma source(%dma_start3A_66 : memref<328x128xf32, #tpu.memory_space<vmem_shared>>) target(%dma_start3A_64 : memref<328x128xf32, #tpu.memory_space<hbm>>) target_semaphore(%run_scoped3A : memref<!tpu.dma_semaphore, #tpu.memory_space<semaphore_mem>>)
        %dma_wait3A = arith.constant 0 : i32
        %dma_wait3A_67 = tpu.memref_slice %arg4[%mul3A_63, %dma_wait3A] : memref<5248x128xf32, #tpu.memory_space<hbm>> -> memref<328x128xf32, #tpu.memory_space<hbm>>
        %dma_wait3A_68 = arith.constant 0 : i32
        %dma_wait3A_69 = tpu.memref_slice %arg9[%mul3A_61, %dma_wait3A_68] : memref<5248x128xf32, #tpu.memory_space<vmem_shared>> -> memref<328x128xf32, #tpu.memory_space<vmem_shared>>
        tpu.wait_dma2 semaphore(%run_scoped3A : memref<!tpu.dma_semaphore, #tpu.memory_space<semaphore_mem>>) src(%dma_wait3A_69 : memref<328x128xf32, #tpu.memory_space<vmem_shared>>) dst(%dma_wait3A_67 : memref<328x128xf32, #tpu.memory_space<hbm>>)
        tpu.yield
      }) : () -> ()
    } else {
    }
    %eq3A_55 = arith.constant 1 : i32
    %eq3A_56 = arith.cmpi eq, %arg0, %eq3A_55 : i32
    %convert_element_type3A_57 = arith.extui %eq3A_56 : i1 to i32
    %cond3A_58 = arith.constant 0 : i32
    %cond3A_59 = arith.cmpi ne, %convert_element_type3A_57, %cond3A_58 : i32
    scf.if %cond3A_59 {
      %mul3A_60 = arith.constant 328 : i32
      %mul3A_61 = arith.muli %arg1, %mul3A_60 : i32
      %mul3A_62 = arith.constant 328 : i32
      %mul3A_63 = arith.muli %arg1, %mul3A_62 : i32
      "tpu.region"() ({
        %run_scoped3A = tpu.sem_alloc : memref<!tpu.dma_semaphore, #tpu.memory_space<semaphore_mem>>
        %dma_start3A = arith.constant 0 : i32
        %dma_start3A_64 = tpu.memref_slice %arg5[%mul3A_63, %dma_start3A] : memref<5248x128xf32, #tpu.memory_space<hbm>> -> memref<328x128xf32, #tpu.memory_space<hbm>>
        %dma_start3A_65 = arith.constant 0 : i32
        %dma_start3A_66 = tpu.memref_slice %arg9[%mul3A_61, %dma_start3A_65] : memref<5248x128xf32, #tpu.memory_space<vmem_shared>> -> memref<328x128xf32, #tpu.memory_space<vmem_shared>>
        tpu.enqueue_dma source(%dma_start3A_66 : memref<328x128xf32, #tpu.memory_space<vmem_shared>>) target(%dma_start3A_64 : memref<328x128xf32, #tpu.memory_space<hbm>>) target_semaphore(%run_scoped3A : memref<!tpu.dma_semaphore, #tpu.memory_space<semaphore_mem>>)
        %dma_wait3A = arith.constant 0 : i32
        %dma_wait3A_67 = tpu.memref_slice %arg5[%mul3A_63, %dma_wait3A] : memref<5248x128xf32, #tpu.memory_space<hbm>> -> memref<328x128xf32, #tpu.memory_space<hbm>>
        %dma_wait3A_68 = arith.constant 0 : i32
        %dma_wait3A_69 = tpu.memref_slice %arg9[%mul3A_61, %dma_wait3A_68] : memref<5248x128xf32, #tpu.memory_space<vmem_shared>> -> memref<328x128xf32, #tpu.memory_space<vmem_shared>>
        tpu.wait_dma2 semaphore(%run_scoped3A : memref<!tpu.dma_semaphore, #tpu.memory_space<semaphore_mem>>) src(%dma_wait3A_69 : memref<328x128xf32, #tpu.memory_space<vmem_shared>>) dst(%dma_wait3A_67 : memref<328x128xf32, #tpu.memory_space<hbm>>)
        tpu.yield
      }) : () -> ()
    } else {
    }
    return
  }
}

module attributes {stable_mosaic.version = 14 : i64} {
  func.func @_tc_partials(%arg0: i32, %arg1: memref<3200x128xf32, #tpu.memory_space<vmem>>, %arg2: memref<1x1x3200xi32, #tpu.memory_space<vmem>>, %arg3: memref<128x64xf32, #tpu.memory_space<vmem>>, %arg4: memref<64x1xf32, #tpu.memory_space<vmem>>, %arg5: memref<1x128x128xf32, #tpu.memory_space<vmem>>, %arg6: memref<10128x128xf32, #tpu.memory_space<vmem>>, %arg7: memref<10128x1xf32, #tpu.memory_space<vmem>>) attributes {dimension_semantics = [#tpu.dimension_semantics<arbitrary>], iteration_bounds = array<i64: 100>, scalar_prefetch = 0 : i64, scratch_operands = 0 : i64, tpu.core_type = #tpu.core_type<tc>, window_params = [{transform_indices = @transform_0, window_bounds = array<i64: 3200, 128>}, {transform_indices = @transform_1, window_bounds = array<i64: 1, 1, 3200>}, {pipeline_mode = #tpu.pipeline_mode<synchronous>, transform_indices = @transform_2, window_bounds = array<i64: 128, 64>}, {pipeline_mode = #tpu.pipeline_mode<synchronous>, transform_indices = @transform_3, window_bounds = array<i64: 64, 1>}, {transform_indices = @transform_4, window_bounds = array<i64: 1, 128, 128>}, {pipeline_mode = #tpu.pipeline_mode<synchronous>, transform_indices = @transform_5, window_bounds = array<i64: 10128, 128>}, {pipeline_mode = #tpu.pipeline_mode<synchronous>, transform_indices = @transform_6, window_bounds = array<i64: 10128, 1>}]} {
    %eq3A = arith.constant 0 : i32
    %eq3A_0 = arith.cmpi eq, %arg0, %eq3A : i32
    %convert_element_type3A = arith.extui %eq3A_0 : i1 to i32
    %cond3A = arith.constant 0 : i32
    %cond3A_1 = arith.cmpi ne, %convert_element_type3A, %cond3A : i32
    scf.if %cond3A_1 {
      %broadcast_in_dim3A = arith.constant 0.000000e+00 : f32
      %broadcast_in_dim3A_99 = vector.broadcast %broadcast_in_dim3A : f32 to vector<10128x128xf32>
      %swap3A_100 = arith.constant 0 : index
      %swap3A_101 = arith.constant 0 : index
      %swap3A_102 = vector.load %arg6[%swap3A_100, %swap3A_101] : memref<10128x128xf32, #tpu.memory_space<vmem>>, vector<10128x128xf32>
      tpu.vector_store %arg6[%swap3A_100, %swap3A_101], %broadcast_in_dim3A_99 {strides = array<i32>} : memref<10128x128xf32, #tpu.memory_space<vmem>>, vector<10128x128xf32>,
      %broadcast_in_dim3A_103 = arith.constant 0.000000e+00 : f32
      %broadcast_in_dim3A_104 = vector.broadcast %broadcast_in_dim3A_103 : f32 to vector<10128x1xf32>
      %swap3A_105 = arith.constant 0 : index
      %swap3A_106 = arith.constant 0 : index
      %swap3A_107 = vector.load %arg7[%swap3A_105, %swap3A_106] : memref<10128x1xf32, #tpu.memory_space<vmem>>, vector<10128x1xf32>
      tpu.vector_store %arg7[%swap3A_105, %swap3A_106], %broadcast_in_dim3A_104 {strides = array<i32>} : memref<10128x1xf32, #tpu.memory_space<vmem>>, vector<10128x1xf32>,
    } else {
    }
    %get3A = arith.constant 0 : index
    %get3A_2 = arith.constant 0 : index
    %get3A_3 = vector.load %arg1[%get3A, %get3A_2] : memref<3200x128xf32, #tpu.memory_space<vmem>>, vector<3200x128xf32>
    %get3A_4 = arith.constant 0 : index
    %get3A_5 = arith.constant 0 : index
    %get3A_6 = vector.load %arg3[%get3A_4, %get3A_5] : memref<128x64xf32, #tpu.memory_space<vmem>>, vector<128x64xf32>
    %dot_general3A = arith.constant dense<0.000000e+00> : vector<3200x64xf32>
    %dot_general3A_7 = tpu.matmul %get3A_3, %get3A_6, %dot_general3A {dimension_numbers = #tpu.dot_dimension_numbers<[1], [0], [0], [1], [0, 0, 1, 1], [], []>, transpose_lhs_hint = false} : vector<3200x128xf32>, vector<128x64xf32>, vector<3200x64xf32> -> vector<3200x64xf32>
    %tanh3A = math.tanh %dot_general3A_7 : vector<3200x64xf32>
    %get3A_8 = arith.constant 0 : index
    %get3A_9 = arith.constant 0 : index
    %get3A_10 = vector.load %arg4[%get3A_8, %get3A_9] : memref<64x1xf32, #tpu.memory_space<vmem>>, vector<64x1xf32>
    %dot_general3A_11 = arith.constant dense<0.000000e+00> : vector<3200x1xf32>
    %dot_general3A_12 = tpu.matmul %tanh3A, %get3A_10, %dot_general3A_11 {dimension_numbers = #tpu.dot_dimension_numbers<[1], [0], [0], [1], [0, 0, 1, 1], [], []>, transpose_lhs_hint = false} : vector<3200x64xf32>, vector<64x1xf32>, vector<3200x1xf32> -> vector<3200x1xf32>
    %exp3A = math.exp %dot_general3A_12 : vector<3200x1xf32>
    %mul3A = vector.broadcast %exp3A : vector<3200x1xf32> to vector<3200x128xf32>
    %mul3A_13 = arith.mulf %get3A_3, %mul3A : vector<3200x128xf32>
    %convert_element_type3A_14 = arith.truncf %mul3A_13 : vector<3200x128xf32> to vector<3200x128xbf16>
    %convert_element_type3A_15 = arith.truncf %exp3A : vector<3200x1xf32> to vector<3200x1xbf16>
    %get3A_16 = arith.constant 0 : index
    %get3A_17 = arith.constant 0 : index
    %get3A_18 = arith.constant 0 : index
    %get3A_19 = vector.load %arg2[%get3A_16, %get3A_17, %get3A_18] : memref<1x1x3200xi32, #tpu.memory_space<vmem>>, vector<1x1x3200xi32>
    %get3A_20 = vector.shape_cast %get3A_19 : vector<1x1x3200xi32> to vector<1x3200xi32>
    %reduce_min3A = vector.shape_cast %get3A_20 : vector<1x3200xi32> to vector<1x1x3200xi32>
    %reduce_min3A_21 = arith.constant dense<2147483647> : vector<1xi32>
    %reduce_min3A_22 = vector.multi_reduction <minsi>, %reduce_min3A, %reduce_min3A_21 [1, 2] : vector<1x1x3200xi32> to vector<1xi32>
    %reduce_min3A_23 = vector.shape_cast %reduce_min3A_22 : vector<1xi32> to vector<1x1x1xi32>
    %reduce_min3A_24 = vector.extract %reduce_min3A_23[0, 0, 0] : i32 from vector<1x1x1xi32>
    %jit3A = arith.constant 8 : i32
    %div3A = arith.divsi %reduce_min3A_24, %jit3A : i32
    %sign3A = arith.constant 0 : i32
    %sign3A_25 = arith.cmpi sgt, %reduce_min3A_24, %sign3A : i32
    %sign3A_26 = arith.extui %sign3A_25 : i1 to i32
    %sign3A_27 = arith.constant 0 : i32
    %sign3A_28 = arith.cmpi slt, %reduce_min3A_24, %sign3A_27 : i32
    %sign3A_29 = arith.extui %sign3A_28 : i1 to i32
    %sign3A_30 = arith.subi %sign3A_26, %sign3A_29 : i32
    %sign3A_31 = arith.constant 0 : i32
    %sign3A_32 = arith.cmpi sgt, %jit3A, %sign3A_31 : i32
    %sign3A_33 = arith.extui %sign3A_32 : i1 to i32
    %sign3A_34 = arith.constant 0 : i32
    %sign3A_35 = arith.cmpi slt, %jit3A, %sign3A_34 : i32
    %sign3A_36 = arith.extui %sign3A_35 : i1 to i32
    %sign3A_37 = arith.subi %sign3A_33, %sign3A_36 : i32
    %ne3A = arith.cmpi ne, %sign3A_30, %sign3A_37 : i32
    %rem3A = arith.remsi %reduce_min3A_24, %jit3A : i32
    %ne3A_38 = arith.constant 0 : i32
    %ne3A_39 = arith.cmpi ne, %rem3A, %ne3A_38 : i32
    %and3A = arith.andi %ne3A, %ne3A_39 : i1
    %sub3A = arith.constant 1 : i32
    %sub3A_40 = arith.subi %div3A, %sub3A : i32
    %select_n3A = arith.select %and3A, %sub3A_40, %div3A : i32
    %mul3A_41 = arith.constant 8 : i32
    %mul3A_42 = arith.muli %select_n3A, %mul3A_41 : i32
    %sub3A_43 = vector.broadcast %mul3A_42 : i32 to vector<1x3200xi32>
    %sub3A_44 = arith.subi %get3A_20, %sub3A_43 : vector<1x3200xi32>
    %reduce_max3A = vector.shape_cast %sub3A_44 : vector<1x3200xi32> to vector<1x1x3200xi32>
    %reduce_max3A_45 = arith.constant dense<-2147483648> : vector<1xi32>
    %reduce_max3A_46 = vector.multi_reduction <maxsi>, %reduce_max3A, %reduce_max3A_45 [1, 2] : vector<1x1x3200xi32> to vector<1xi32>
    %reduce_max3A_47 = vector.shape_cast %reduce_max3A_46 : vector<1xi32> to vector<1x1x1xi32>
    %reduce_max3A_48 = vector.extract %reduce_max3A_47[0, 0, 0] : i32 from vector<1x1x1xi32>
    %jit3A_49 = arith.constant 128 : i32
    %div3A_50 = arith.divsi %reduce_max3A_48, %jit3A_49 : i32
    %sign3A_51 = arith.constant 0 : i32
    %sign3A_52 = arith.cmpi sgt, %reduce_max3A_48, %sign3A_51 : i32
    %sign3A_53 = arith.extui %sign3A_52 : i1 to i32
    %sign3A_54 = arith.constant 0 : i32
    %sign3A_55 = arith.cmpi slt, %reduce_max3A_48, %sign3A_54 : i32
    %sign3A_56 = arith.extui %sign3A_55 : i1 to i32
    %sign3A_57 = arith.subi %sign3A_53, %sign3A_56 : i32
    %sign3A_58 = arith.constant 0 : i32
    %sign3A_59 = arith.cmpi sgt, %jit3A_49, %sign3A_58 : i32
    %sign3A_60 = arith.extui %sign3A_59 : i1 to i32
    %sign3A_61 = arith.constant 0 : i32
    %sign3A_62 = arith.cmpi slt, %jit3A_49, %sign3A_61 : i32
    %sign3A_63 = arith.extui %sign3A_62 : i1 to i32
    %sign3A_64 = arith.subi %sign3A_60, %sign3A_63 : i32
    %ne3A_65 = arith.cmpi ne, %sign3A_57, %sign3A_64 : i32
    %rem3A_66 = arith.remsi %reduce_max3A_48, %jit3A_49 : i32
    %ne3A_67 = arith.constant 0 : i32
    %ne3A_68 = arith.cmpi ne, %rem3A_66, %ne3A_67 : i32
    %and3A_69 = arith.andi %ne3A_65, %ne3A_68 : i1
    %sub3A_70 = arith.constant 1 : i32
    %sub3A_71 = arith.subi %div3A_50, %sub3A_70 : i32
    %select_n3A_72 = arith.select %and3A_69, %sub3A_71, %div3A_50 : i32
    %add3A = arith.constant 1 : i32
    %add3A_73 = arith.addi %select_n3A_72, %add3A : i32
    %iota3A = tpu.iota {dimensions = array<i32: 0>} : vector<128x3200xi32>
    %eq3A_74 = vector.broadcast %sub3A_44 : vector<1x3200xi32> to vector<128x3200xi32>
    %eq3A_75 = arith.cmpi eq, %iota3A, %eq3A_74 : vector<128x3200xi32>
    %convert_element_type3A_76 = arith.extui %eq3A_75 : vector<128x3200xi1> to vector<128x3200xi32>
    %convert_element_type3A_77 = arith.sitofp %convert_element_type3A_76 : vector<128x3200xi32> to vector<128x3200xf32>
    %convert_element_type3A_78 = arith.truncf %convert_element_type3A_77 : vector<128x3200xf32> to vector<128x3200xbf16>
    %dot_general3A_79 = arith.constant dense<0.000000e+00> : vector<128x128xf32>
    %dot_general3A_80 = tpu.matmul %convert_element_type3A_78, %convert_element_type3A_14, %dot_general3A_79 {dimension_numbers = #tpu.dot_dimension_numbers<[1], [0], [0], [1], [0, 0, 1, 1], [], []>, transpose_lhs_hint = false} : vector<128x3200xbf16>, vector<3200x128xbf16>, vector<128x128xf32> -> vector<128x128xf32>
    %dot_general3A_81 = arith.constant dense<0.000000e+00> : vector<128x1xf32>
    %dot_general3A_82 = tpu.matmul %convert_element_type3A_78, %convert_element_type3A_15, %dot_general3A_81 {dimension_numbers = #tpu.dot_dimension_numbers<[1], [0], [0], [1], [0, 0, 1, 1], [], []>, transpose_lhs_hint = false} : vector<128x3200xbf16>, vector<3200x1xbf16>, vector<128x1xf32> -> vector<128x1xf32>
    %swap3A = arith.constant 0 : index
    %swap3A_83 = arith.constant 0 : index
    %swap3A_84 = arith.constant 0 : index
    %swap3A_85 = vector.load %arg5[%swap3A, %swap3A_83, %swap3A_84] : memref<1x128x128xf32, #tpu.memory_space<vmem>>, vector<1x128x128xf32>
    %swap3A_86 = vector.shape_cast %swap3A_85 : vector<1x128x128xf32> to vector<128x128xf32>
    %swap3A_87 = vector.shape_cast %dot_general3A_80 : vector<128x128xf32> to vector<1x128x128xf32>
    tpu.vector_store %arg5[%swap3A, %swap3A_83, %swap3A_84], %swap3A_87 {strides = array<i32>} : memref<1x128x128xf32, #tpu.memory_space<vmem>>, vector<1x128x128xf32>,
    %get3A_88 = arith.index_cast %mul3A_42 : i32 to index
    %get3A_89 = arith.constant 0 : index
    %get3A_90 = vector.load %arg7[%get3A_88, %get3A_89] : memref<10128x1xf32, #tpu.memory_space<vmem>>, vector<128x1xf32>
    %add3A_91 = arith.addf %get3A_90, %dot_general3A_82 : vector<128x1xf32>
    %swap3A_92 = arith.index_cast %mul3A_42 : i32 to index
    %swap3A_93 = arith.constant 0 : index
    %swap3A_94 = vector.load %arg7[%swap3A_92, %swap3A_93] : memref<10128x1xf32, #tpu.memory_space<vmem>>, vector<128x1xf32>
    tpu.vector_store %arg7[%swap3A_92, %swap3A_93], %add3A_91 {strides = array<i32>} : memref<10128x1xf32, #tpu.memory_space<vmem>>, vector<128x1xf32>,
    %gt3A = arith.constant 1 : i32
    %gt3A_95 = arith.cmpi sgt, %add3A_73, %gt3A : i32
    %convert_element_type3A_96 = arith.extui %gt3A_95 : i1 to i32
    %cond3A_97 = arith.constant 0 : i32
    %cond3A_98 = arith.cmpi ne, %convert_element_type3A_96, %cond3A_97 : i32
    scf.if %cond3A_98 {
      %while3A = arith.constant 0 : i32
      %while3A_99 = arith.constant 1 : i32
      %while3A_100 = arith.subi %add3A_73, %while3A_99 : i32
      %while3A_101 = arith.addi %while3A_99, %while3A_100 : i32
      %while3A_102 = arith.constant 1 : i32
      %while3A_103 = arith.divsi %while3A_100, %while3A_102 : i32
      %while3A_104 = arith.muli %while3A_103, %while3A_102 : i32
      %while3A_105 = arith.addi %while3A_99, %while3A_104 : i32
      %while3A_106 = arith.constant 1 : i32
      scf.for %while3A_108 = %while3A_99 to %while3A_105 step %while3A_106  : i32 {
        %mul3A_109 = arith.constant 128 : i32
        %mul3A_110 = arith.muli %while3A_108, %mul3A_109 : i32
        %add3A_111 = vector.broadcast %mul3A_110 : i32 to vector<128x3200xi32>
        %add3A_112 = arith.addi %iota3A, %add3A_111 : vector<128x3200xi32>
        %eq3A_113 = vector.broadcast %sub3A_44 : vector<1x3200xi32> to vector<128x3200xi32>
        %eq3A_114 = arith.cmpi eq, %add3A_112, %eq3A_113 : vector<128x3200xi32>
        %convert_element_type3A_115 = arith.extui %eq3A_114 : vector<128x3200xi1> to vector<128x3200xi32>
        %convert_element_type3A_116 = arith.sitofp %convert_element_type3A_115 : vector<128x3200xi32> to vector<128x3200xf32>
        %convert_element_type3A_117 = arith.truncf %convert_element_type3A_116 : vector<128x3200xf32> to vector<128x3200xbf16>
        %dot_general3A_118 = arith.constant dense<0.000000e+00> : vector<128x128xf32>
        %dot_general3A_119 = tpu.matmul %convert_element_type3A_117, %convert_element_type3A_14, %dot_general3A_118 {dimension_numbers = #tpu.dot_dimension_numbers<[1], [0], [0], [1], [0, 0, 1, 1], [], []>, transpose_lhs_hint = false} : vector<128x3200xbf16>, vector<3200x128xbf16>, vector<128x128xf32> -> vector<128x128xf32>
        %dot_general3A_120 = arith.constant dense<0.000000e+00> : vector<128x1xf32>
        %dot_general3A_121 = tpu.matmul %convert_element_type3A_117, %convert_element_type3A_15, %dot_general3A_120 {dimension_numbers = #tpu.dot_dimension_numbers<[1], [0], [0], [1], [0, 0, 1, 1], [], []>, transpose_lhs_hint = false} : vector<128x3200xbf16>, vector<3200x1xbf16>, vector<128x1xf32> -> vector<128x1xf32>
        %mul3A_122 = arith.constant 128 : i32
        %mul3A_123 = arith.muli %while3A_108, %mul3A_122 : i32
        %add3A_124 = arith.addi %mul3A_42, %mul3A_123 : i32
        %get3A_125 = arith.index_cast %add3A_124 : i32 to index
        %get3A_126 = arith.constant 0 : index
        %get3A_127 = vector.load %arg6[%get3A_125, %get3A_126] : memref<10128x128xf32, #tpu.memory_space<vmem>>, vector<128x128xf32>
        %add3A_128 = arith.addf %get3A_127, %dot_general3A_119 : vector<128x128xf32>
        %swap3A_129 = arith.index_cast %add3A_124 : i32 to index
        %swap3A_130 = arith.constant 0 : index
        %swap3A_131 = vector.load %arg6[%swap3A_129, %swap3A_130] : memref<10128x128xf32, #tpu.memory_space<vmem>>, vector<128x128xf32>
        tpu.vector_store %arg6[%swap3A_129, %swap3A_130], %add3A_128 {strides = array<i32>} : memref<10128x128xf32, #tpu.memory_space<vmem>>, vector<128x128xf32>,
        %get3A_132 = arith.index_cast %add3A_124 : i32 to index
        %get3A_133 = arith.constant 0 : index
        %get3A_134 = vector.load %arg7[%get3A_132, %get3A_133] : memref<10128x1xf32, #tpu.memory_space<vmem>>, vector<128x1xf32>
        %add3A_135 = arith.addf %get3A_134, %dot_general3A_121 : vector<128x1xf32>
        %swap3A_136 = arith.index_cast %add3A_124 : i32 to index
        %swap3A_137 = arith.constant 0 : index
        %swap3A_138 = vector.load %arg7[%swap3A_136, %swap3A_137] : memref<10128x1xf32, #tpu.memory_space<vmem>>, vector<128x1xf32>
        tpu.vector_store %arg7[%swap3A_136, %swap3A_137], %add3A_135 {strides = array<i32>} : memref<10128x1xf32, #tpu.memory_space<vmem>>, vector<128x1xf32>,
      }
      %while3A_107 = arith.constant 1 : i32
      scf.for %while3A_108 = %while3A_105 to %while3A_101 step %while3A_107  : i32 {
        %mul3A_109 = arith.constant 128 : i32
        %mul3A_110 = arith.muli %while3A_108, %mul3A_109 : i32
        %add3A_111 = vector.broadcast %mul3A_110 : i32 to vector<128x3200xi32>
        %add3A_112 = arith.addi %iota3A, %add3A_111 : vector<128x3200xi32>
        %eq3A_113 = vector.broadcast %sub3A_44 : vector<1x3200xi32> to vector<128x3200xi32>
        %eq3A_114 = arith.cmpi eq, %add3A_112, %eq3A_113 : vector<128x3200xi32>
        %convert_element_type3A_115 = arith.extui %eq3A_114 : vector<128x3200xi1> to vector<128x3200xi32>
        %convert_element_type3A_116 = arith.sitofp %convert_element_type3A_115 : vector<128x3200xi32> to vector<128x3200xf32>
        %convert_element_type3A_117 = arith.truncf %convert_element_type3A_116 : vector<128x3200xf32> to vector<128x3200xbf16>
        %dot_general3A_118 = arith.constant dense<0.000000e+00> : vector<128x128xf32>
        %dot_general3A_119 = tpu.matmul %convert_element_type3A_117, %convert_element_type3A_14, %dot_general3A_118 {dimension_numbers = #tpu.dot_dimension_numbers<[1], [0], [0], [1], [0, 0, 1, 1], [], []>, transpose_lhs_hint = false} : vector<128x3200xbf16>, vector<3200x128xbf16>, vector<128x128xf32> -> vector<128x128xf32>
        %dot_general3A_120 = arith.constant dense<0.000000e+00> : vector<128x1xf32>
        %dot_general3A_121 = tpu.matmul %convert_element_type3A_117, %convert_element_type3A_15, %dot_general3A_120 {dimension_numbers = #tpu.dot_dimension_numbers<[1], [0], [0], [1], [0, 0, 1, 1], [], []>, transpose_lhs_hint = false} : vector<128x3200xbf16>, vector<3200x1xbf16>, vector<128x1xf32> -> vector<128x1xf32>
        %mul3A_122 = arith.constant 128 : i32
        %mul3A_123 = arith.muli %while3A_108, %mul3A_122 : i32
        %add3A_124 = arith.addi %mul3A_42, %mul3A_123 : i32
        %get3A_125 = arith.index_cast %add3A_124 : i32 to index
        %get3A_126 = arith.constant 0 : index
        %get3A_127 = vector.load %arg6[%get3A_125, %get3A_126] : memref<10128x128xf32, #tpu.memory_space<vmem>>, vector<128x128xf32>
        %add3A_128 = arith.addf %get3A_127, %dot_general3A_119 : vector<128x128xf32>
        %swap3A_129 = arith.index_cast %add3A_124 : i32 to index
        %swap3A_130 = arith.constant 0 : index
        %swap3A_131 = vector.load %arg6[%swap3A_129, %swap3A_130] : memref<10128x128xf32, #tpu.memory_space<vmem>>, vector<128x128xf32>
        tpu.vector_store %arg6[%swap3A_129, %swap3A_130], %add3A_128 {strides = array<i32>} : memref<10128x128xf32, #tpu.memory_space<vmem>>, vector<128x128xf32>,
        %get3A_132 = arith.index_cast %add3A_124 : i32 to index
        %get3A_133 = arith.constant 0 : index
        %get3A_134 = vector.load %arg7[%get3A_132, %get3A_133] : memref<10128x1xf32, #tpu.memory_space<vmem>>, vector<128x1xf32>
        %add3A_135 = arith.addf %get3A_134, %dot_general3A_121 : vector<128x1xf32>
        %swap3A_136 = arith.index_cast %add3A_124 : i32 to index
        %swap3A_137 = arith.constant 0 : index
        %swap3A_138 = vector.load %arg7[%swap3A_136, %swap3A_137] : memref<10128x1xf32, #tpu.memory_space<vmem>>, vector<128x1xf32>
        tpu.vector_store %arg7[%swap3A_136, %swap3A_137], %add3A_135 {strides = array<i32>} : memref<10128x1xf32, #tpu.memory_space<vmem>>, vector<128x1xf32>,
      }
    } else {
    }
    return
  }
  func.func @transform_0(%arg0: i32) -> (i32, i32) {
    %c0_i32 = arith.constant 0 : i32
    %c0_i32_0 = arith.constant 0 : i32
    return %arg0, %c0_i32 : i32, i32
  }
  func.func @transform_1(%arg0: i32) -> (i32, i32, i32) {
    %c0_i32 = arith.constant 0 : i32
    %c0_i32_0 = arith.constant 0 : i32
    %c0_i32_1 = arith.constant 0 : i32
    return %arg0, %c0_i32, %c0_i32_0 : i32, i32, i32
  }
  func.func @transform_2(%arg0: i32) -> (i32, i32) {
    %c0_i32 = arith.constant 0 : i32
    %c0_i32_0 = arith.constant 0 : i32
    %c0_i32_1 = arith.constant 0 : i32
    return %c0_i32, %c0_i32_0 : i32, i32
  }
  func.func @transform_3(%arg0: i32) -> (i32, i32) {
    %c0_i32 = arith.constant 0 : i32
    %c0_i32_0 = arith.constant 0 : i32
    %c0_i32_1 = arith.constant 0 : i32
    return %c0_i32, %c0_i32_0 : i32, i32
  }
  func.func @transform_4(%arg0: i32) -> (i32, i32, i32) {
    %c0_i32 = arith.constant 0 : i32
    %c0_i32_0 = arith.constant 0 : i32
    %c0_i32_1 = arith.constant 0 : i32
    return %arg0, %c0_i32, %c0_i32_0 : i32, i32, i32
  }
  func.func @transform_5(%arg0: i32) -> (i32, i32) {
    %c0_i32 = arith.constant 0 : i32
    %c0_i32_0 = arith.constant 0 : i32
    %c0_i32_1 = arith.constant 0 : i32
    return %c0_i32, %c0_i32_0 : i32, i32
  }
  func.func @transform_6(%arg0: i32) -> (i32, i32) {
    %c0_i32 = arith.constant 0 : i32
    %c0_i32_0 = arith.constant 0 : i32
    %c0_i32_1 = arith.constant 0 : i32
    return %c0_i32, %c0_i32_0 : i32, i32
  }
}

module attributes {stable_mosaic.version = 14 : i64} {
  func.func @_tc_finalize(%arg0: i32, %arg1: memref<5248x128xf32, #tpu.memory_space<vmem>>, %arg2: memref<5248x128xf32, #tpu.memory_space<vmem>>, %arg3: memref<10000x128xf32, #tpu.memory_space<vmem>>, %arg4: memref<10000x1xf32, #tpu.memory_space<vmem>>, %arg5: memref<10000x128xf32, #tpu.memory_space<vmem>>) attributes {dimension_semantics = [#tpu.dimension_semantics<arbitrary>], iteration_bounds = array<i64: 1>, scalar_prefetch = 0 : i64, scratch_operands = 0 : i64, tpu.core_type = #tpu.core_type<tc>, window_params = [{pipeline_mode = #tpu.pipeline_mode<synchronous>, transform_indices = @transform_0, window_bounds = array<i64: 5248, 128>}, {pipeline_mode = #tpu.pipeline_mode<synchronous>, transform_indices = @transform_1, window_bounds = array<i64: 5248, 128>}, {transform_indices = @transform_2, window_bounds = array<i64: 10000, 128>}, {transform_indices = @transform_3, window_bounds = array<i64: 10000, 1>}, {pipeline_mode = #tpu.pipeline_mode<synchronous>, transform_indices = @transform_4, window_bounds = array<i64: 10000, 128>}]} {
    %get3A = arith.constant 0 : index
    %get3A_0 = arith.constant 0 : index
    %get3A_1 = vector.load %arg1[%get3A, %get3A_0] : memref<5248x128xf32, #tpu.memory_space<vmem>>, vector<5248x128xf32>
    %get3A_2 = arith.constant 0 : index
    %get3A_3 = arith.constant 0 : index
    %get3A_4 = vector.load %arg2[%get3A_2, %get3A_3] : memref<5248x128xf32, #tpu.memory_space<vmem>>, vector<5248x128xf32>
    %slice3A = vector.extract_strided_slice %get3A_1 {offsets = [0, 0], sizes = [4992, 128], strides = [1, 1]} : vector<5248x128xf32> to vector<4992x128xf32>
    %slice3A_5 = vector.extract_strided_slice %get3A_1 {offsets = [4992, 0], sizes = [256, 128], strides = [1, 1]} : vector<5248x128xf32> to vector<256x128xf32>
    %slice3A_6 = vector.extract_strided_slice %get3A_4 {offsets = [0, 0], sizes = [256, 128], strides = [1, 1]} : vector<5248x128xf32> to vector<256x128xf32>
    %add3A = arith.addf %slice3A_5, %slice3A_6 : vector<256x128xf32>
    %slice3A_7 = vector.extract_strided_slice %get3A_4 {offsets = [256, 0], sizes = [4752, 128], strides = [1, 1]} : vector<5248x128xf32> to vector<4752x128xf32>
    %concatenate3A = tpu.concatenate %slice3A, %add3A, %slice3A_7 in 0 : vector<4992x128xf32>, vector<256x128xf32>, vector<4752x128xf32> -> vector<10000x128xf32>
    %get3A_8 = arith.constant 0 : index
    %get3A_9 = arith.constant 0 : index
    %get3A_10 = vector.load %arg3[%get3A_8, %get3A_9] : memref<10000x128xf32, #tpu.memory_space<vmem>>, vector<10000x128xf32>
    %add3A_11 = arith.addf %concatenate3A, %get3A_10 : vector<10000x128xf32>
    %get3A_12 = arith.constant 0 : index
    %get3A_13 = arith.constant 0 : index
    %get3A_14 = vector.load %arg4[%get3A_12, %get3A_13] : memref<10000x1xf32, #tpu.memory_space<vmem>>, vector<10000x1xf32>
    %gt3A = arith.constant 0.000000e+00 : f32
    %gt3A_15 = vector.broadcast %gt3A : f32 to vector<10000x1xf32>
    %gt3A_16 = arith.cmpf ogt, %get3A_14, %gt3A_15 : vector<10000x1xf32>
    %div3A = vector.broadcast %get3A_14 : vector<10000x1xf32> to vector<10000x128xf32>
    %div3A_17 = arith.divf %add3A_11, %div3A : vector<10000x128xf32>
    %jit3A = arith.constant 0.000000e+00 : f32
    %broadcast_in_dim3A = vector.shape_cast %gt3A_16 : vector<10000x1xi1> to vector<10000x1xi1>
    %broadcast_in_dim3A_18 = vector.broadcast %broadcast_in_dim3A : vector<10000x1xi1> to vector<10000x128xi1>
    %broadcast_in_dim3A_19 = vector.broadcast %jit3A : f32 to vector<10000x128xf32>
    %select_n3A = arith.select %broadcast_in_dim3A_18, %div3A_17, %broadcast_in_dim3A_19 : vector<10000x128xi1>, vector<10000x128xf32>
    %swap3A = arith.constant 0 : index
    %swap3A_20 = arith.constant 0 : index
    %swap3A_21 = vector.load %arg5[%swap3A, %swap3A_20] : memref<10000x128xf32, #tpu.memory_space<vmem>>, vector<10000x128xf32>
    tpu.vector_store %arg5[%swap3A, %swap3A_20], %select_n3A {strides = array<i32>} : memref<10000x128xf32, #tpu.memory_space<vmem>>, vector<10000x128xf32>,
    return
  }
  func.func @transform_0(%arg0: i32) -> (i32, i32) {
    %c0_i32 = arith.constant 0 : i32
    %c0_i32_0 = arith.constant 0 : i32
    %c0_i32_1 = arith.constant 0 : i32
    return %c0_i32, %c0_i32_0 : i32, i32
  }
  func.func @transform_1(%arg0: i32) -> (i32, i32) {
    %c0_i32 = arith.constant 0 : i32
    %c0_i32_0 = arith.constant 0 : i32
    %c0_i32_1 = arith.constant 0 : i32
    return %c0_i32, %c0_i32_0 : i32, i32
  }
  func.func @transform_2(%arg0: i32) -> (i32, i32) {
    %c0_i32 = arith.constant 0 : i32
    %c0_i32_0 = arith.constant 0 : i32
    %c0_i32_1 = arith.constant 0 : i32
    return %c0_i32, %c0_i32_0 : i32, i32
  }
  func.func @transform_3(%arg0: i32) -> (i32, i32) {
    %c0_i32 = arith.constant 0 : i32
    %c0_i32_0 = arith.constant 0 : i32
    %c0_i32_1 = arith.constant 0 : i32
    return %c0_i32, %c0_i32_0 : i32, i32
  }
  func.func @transform_4(%arg0: i32) -> (i32, i32) {
    %c0_i32 = arith.constant 0 : i32
    %c0_i32_0 = arith.constant 0 : i32
    %c0_i32_1 = arith.constant 0 : i32
    return %c0_i32, %c0_i32_0 : i32, i32
  }
}

</mosaic_0001>

<sc_bundles>
// kernel: kernel.5.cloned.1.call-start
scs
__scs_entry_jumppad:
0x0: {  	(pc) =	sbr.rel $0x88, $3  }
0x1: {  	(tag) =	ssettag $0x0;
	lr =	simm.s32 $0x1  }
0x2: {  	[smem:$0x3F9D] =	sst lr;
	_ =	strace $0xD0000000  }
0x3: {  	_ = 	snop  }
0x4: {  	_ = 	snop  }
0x5: {  	_ = 	snop  }
0x6: {  	_ = 	snop  }
0x7: {  	_ = 	snop  }
__scs_overlays_trampoline_lowered:
0x8: {  	[smem:$0x3FAC] =	sst s0  }
0x9: {  	[smem:$0x3FAD] =	sst s1  }
0xa: {  	[smem:$0x3FAE] =	sst s2  }
0xb: {  	[smem:$0x3FAF] =	sst s3  }
0xc: {  	[smem:$0x3FB0] =	sst s4  }
0xd: {  	[smem:$0x3FB1] =	sst s5  }
0xe: {  	[smem:$0x3FB2] =	sst s6  }
0xf: {  	[smem:$0x3FB3] =	sst s7  }
0x10: {  	[smem:$0x3FB4] =	sst s8  }
0x11: {  	[smem:$0x3FB5] =	sst s9;
	s0 =	simm.s32 @!p0 $0x0  }
0x12: {  	s1 =	sld [smem:$0x3F9B];
	s0 =	simm.s32 @p0 $0x1  }
0x13: {  	[smem:$0x3FB6] =	sst s0;
	s0 =	simm.s32 @!p1 $0x0  }
0x14: {  	s2 =	sld [smem:$0x3F9A];
	s0 =	simm.s32 @p1 $0x1  }
0x15: {  	[smem:$0x3FB7] =	sst s0;
	s0 =	simm.s32 @!p2 $0x0  }
0x16: {  	s3 =	sld [smem:$0x3FDB];
	s0 =	simm.s32 @p2 $0x1  }
0x17: {  	s4 =	simm.s32 $0x1BF5;
	[smem:$0x3FB9] =	sst s0  }
0x18: {  	s0 =	sld [smem:$0x3F9C];
	_ =	swait.ge [sflag:s4], $0x0  }
0x19: {  	s7 =	sld [smem:$0x3F9D]  }
0x1a: {  	s8 =	sadd.s32 $0xFFFFE003, lr  }
0x1b: {  	s9 =	sadd.s32 $0xFFFFFEF7, lr;
	s5 =	simm.s32 $0xFFFFFFFF;
	p2 =	slt.u32 s8, $0xFFFFF086  }
0x1c: {  	p1 =	slt.u32 s9, $0xF7A;
	s5 =	simm.s32 @!p2 $0x0  }
0x1d: {  	s5 =	simm.s32 @p1 $0x1;
	p0 =	seq.s32 s7, s2  }
0x1e: {  	s7 =	smul.u32 @!p0 $0xF7A, s2;
	p2 =	seq.s32 @!p0 s5, $0x0  }
0x1f: {  	s9 =	smul.u32 $0xF7A, s1;
	s8 =	simm.s32 @!p0 $0x1BF5;
	p2 =	por !p2, p0  }
0x20: {  	[sflag:s8] =	ssyncset.s32 @!p0 $0xFFFFF086;
	s6 =	sadd.s32 @!p0 s3, s7;
	s7 =	simm.s32 @!p0 $0x108  }
0x21: {  	s3 =	sadd.s32 s3, s9;
	s6 =	sadd.s32 @!p0 $0x88, s6;
	s7 =	simm.s32 @p2 $0x1082  }
0x22: {  	[simem:s7], [sflag:s8] =	dma.local @!p0 [hbm:s6], $0xF7A  }
0x23: {  	s9 =	sor.u32 $0xD0000000, s2;
	s6 =	simm.s32 $0x108;
	_ =	swait.ge @!p0 [sflag:s8], $0x0  }
0x24: {  	s3 =	sadd.s32 $0x88, s3;
	s6 =	simm.s32 @!p1 $0x1082;
	[sflag:s4] =	ssyncset.s32 $0xFFFFF086  }
0x25: {  	[simem:s6], [sflag:s4] =	dma.local [hbm:s3], $0xF7A  }
0x26: {  	[smem:$0x3F9D] =	sst s1;
	(tag) =	ssettag s2;
	_ =	strace s9  }
0x27: {  	s1 =	sld [smem:$0x3FAD]  }
0x28: {  	s2 =	sld [smem:$0x3FAE]  }
0x29: {  	s4 =	sld [smem:$0x3FB0]  }
0x2a: {  	p0 =	seq.s32 s5, $0x0;
	s5 =	sld [smem:$0x3FB1]  }
0x2b: {  	s6 =	sld [smem:$0x3FB2]  }
0x2c: {  	s7 =	sld [smem:$0x3FB3]  }
0x2d: {  	s3 =	simm.s32 $0x108;
	s8 =	sld [smem:$0x3FB4]  }
0x2e: {  	s3 =	simm.s32 @!p0 $0x1082;
	s9 =	sld [smem:$0x3FB5]  }
0x2f: {  	lr =	sadd.s32 s0, s3;
	s0 =	sld [smem:$0x3FAC]  }
0x30: {  	s3 =	sld [smem:$0x3FAF]  }
0x31: {  	[smem:$0x3FB8] =	sst s10  }
0x32: {  	s10 =	sld [smem:$0x3FB6];
	_ =	sdelay $0x3  }
0x33: {  	p0 =	seq.s32 s10, $0x1;
	s10 =	sld [smem:$0x3FB8];
	_ =	sdelay $0x3  }
0x34: {  	[smem:$0x3FB8] =	sst s10  }
0x35: {  	s10 =	sld [smem:$0x3FB7];
	_ =	sdelay $0x3  }
0x36: {  	p1 =	seq.s32 s10, $0x1;
	s10 =	sld [smem:$0x3FB8];
	_ =	sdelay $0x3  }
0x37: {  	[smem:$0x3FB8] =	sst s10  }
0x38: {  	s10 =	sld [smem:$0x3FB9]  }
0x39: {  	_ = 	snop;
	(pc) =	sbr.ind lr, $3  }
0x3a: {  	_ = 	snop  }
0x3b: {  	_ = 	snop  }
0x3c: {  	p2 =	seq.s32 s10, $0x1;
	s10 =	sld [smem:$0x3FB8]  }
0x3d: {  	_ =	shalt  }
0x3e: {  	_ =	shalt  }
0x3f: {  	_ =	shalt  }
0x40: {  	_ =	shalt  }
0x41: {  	_ =	shalt  }
0x42: {  	_ =	shalt  }
0x43: {  	_ =	shalt  }
0x44: {  	_ =	shalt  }
0x45: {  	_ =	shalt  }
0x46: {  	_ =	shalt  }
0x47: {  	_ =	shalt  }
0x48: {  	_ =	shalt  }
0x49: {  	_ =	shalt  }
0x4a: {  	_ =	shalt  }
0x4b: {  	_ =	shalt  }
0x4c: {  	_ =	shalt  }
0x4d: {  	_ =	shalt  }
0x4e: {  	_ =	shalt  }
0x4f: {  	_ =	shalt  }
0x50: {  	_ =	shalt  }
0x51: {  	_ =	shalt  }
0x52: {  	_ =	shalt  }
0x53: {  	_ =	shalt  }
0x54: {  	_ =	shalt  }
0x55: {  	_ =	shalt  }
0x56: {  	_ =	shalt  }
0x57: {  	_ =	shalt  }
0x58: {  	_ =	shalt  }
0x59: {  	_ =	shalt  }
0x5a: {  	_ =	shalt  }
0x5b: {  	_ =	shalt  }
0x5c: {  	_ =	shalt  }
0x5d: {  	_ =	shalt  }
0x5e: {  	_ =	shalt  }
0x5f: {  	_ =	shalt  }
0x60: {  	_ =	shalt  }
0x61: {  	_ =	shalt  }
0x62: {  	_ =	shalt  }
0x63: {  	_ =	shalt  }
0x64: {  	_ =	shalt  }
0x65: {  	_ =	shalt  }
0x66: {  	_ =	shalt  }
0x67: {  	_ =	shalt  }
0x68: {  	_ =	shalt  }
0x69: {  	_ =	shalt  }
0x6a: {  	_ =	shalt  }
0x6b: {  	_ =	shalt  }
0x6c: {  	_ =	shalt  }
0x6d: {  	_ =	shalt  }
0x6e: {  	_ =	shalt  }
0x6f: {  	_ =	shalt  }
0x70: {  	_ =	shalt  }
0x71: {  	_ =	shalt  }
0x72: {  	_ =	shalt  }
0x73: {  	_ =	shalt  }
0x74: {  	_ =	shalt  }
0x75: {  	_ =	shalt  }
0x76: {  	_ =	shalt  }
0x77: {  	_ =	shalt  }
0x78: {  	_ =	shalt  }
0x79: {  	_ =	shalt  }
0x7a: {  	_ =	shalt  }
0x7b: {  	_ =	shalt  }
0x7c: {  	_ =	shalt  }
0x7d: {  	_ =	shalt  }
0x7e: {  	_ =	shalt  }
0x7f: {  	_ =	shalt  }
0x80: {  	_ =	shalt  }
0x81: {  	_ =	shalt  }
0x82: {  	_ =	shalt  }
0x83: {  	_ =	shalt  }
0x84: {  	_ =	shalt  }
0x85: {  	_ =	shalt  }
0x86: {  	_ =	shalt  }
0x87: {  	_ =	shalt  }
.Lfunc_end0:
.L_simem_size_0:
called_computation_lowered:
.L_overlay_start_0:
0x88: {  	s2 =	sld [smem:$0x3FD9]  }
0x89: {  	s3 =	sld [smem:$0x3FFE];
	_ =	sdelay $0x1  }
0x8a: {  	s1 =	srdreg.scid  }
0x8b: {  	s0 =	sand.u32 $0x1, s1  }
0x8c: {  	s17 =	sshll.u32 s0, $0xA;
	s2 =	sadd.s32 s3, s2  }
0x8d: {  	s2 =	sadd.s32 s2, s17  }
0x8e: {  	[smem:$0x3FC4] =	sst s2  }
0x8f: {  	_ = 	snop  }
0x90: {  	s2 =	sld [smem:$0x3FD0];
	(tm) =	ssettm $0x1  }
0x91: {  	s18 =	sld [smem:$0x3FFB];
	_ =	sdelay $0x3  }
0x92: {  	_ =	strace s18  }
0x93: {  	s3 =	sld [smem:$0x3FFC];
	_ =	sdelay $0x3  }
0x94: {  	_ =	strace s3  }
0x95: {  	s3 =	sld [smem:$0x3FFD];
	_ =	sdelay $0x3  }
0x96: {  	_ =	strace s3  }
0x97: {  	_ =	strace $0x8FFFFFFF  }
0x98: {  	s19 =	sld [smem:$0x3FDB];
	_ =	sdelay $0x1  }
0x99: {  	s4 =	simm.s32 $_scs_section_size  }
0x9a: {  	s5 =	simm.s32 $_size__tile_overlayer_lowered;
	s6 =	simm.s32 $_tile_overlayer_lowered  }
0x9b: {  	s22 =	simm.s32 $0x1BFF;
	s21 =	sshll.u32 s6, $0x1;
	s3 =	sadd.s32 s4, s19  }
0x9c: {  	s7 =	simm.s32 $0x0;
	s20 =	sshll.u32 s5, $0x1;
	s5 =	sadd.s32 s21, s3  }
0x9d: {  	[timem:s7], [sflag:s22] =	dma.local [hbm:s5], s20  }
0x9e: {  	_ =	swait.ge [sflag:s22], s20  }
0x9f: {  	s4 =	ssub.s32 $0x0, s20;
	[sflag:s22] =	ssyncset.done $0x0  }
0xa0: {  	[sflag:s22] =	ssyncadd.s32 s4;
	_ =	sdelay $0x1  }
0xa1: {  	s23 =	simm.s32 $0x1B8B  }
0xa2: {  	_ =	swait.ge [sflag:s23], $0x1  }
0xa3: {  	[sflag:s23] =	ssyncset.done $0x0  }
0xa4: {  	s25 =	simm.s32 $0x1B8E;
	s24 =	sld [smem:$0x3FFE];
	[sflag:s23] =	ssyncadd.s32 $0xFFFFFFFF  }
0xa5: {  	s26 =	simm.s32 $execute0_lowered;
	[smem:$0x3FD2] =	sst s25  }
0xa6: {  	s5 =	sshll.u32 s26, $0x1;
	_ =	strace $0x80000046;
	[dreg:$0x1] =	wrdreg $0xFFFFFFFF  }
0xa7: {  	s28 =	simm.s32 $_size_execute0_lowered;
	s3 =	sadd.s32 s3, s5;
	[dreg:$0x0] =	wrdreg $0x0  }
0xa8: {  	s5 =	sshll.u32 s28, $0x1;
	[dreg:$0x2] =	wrdreg s3  }
0xa9: {  	[dreg:$0x3] =	wrdreg s5  }
0xaa: {  	[dreg:$0x4] =	wrdreg $0xC0  }
0xab: {  	_ =	task [dreg:s7], $0x5FFFF  }
0xac: {  	[dreg:$0x1] =	wrdreg $0xFFFFFFFF  }
0xad: {  	[dreg:$0x0] =	wrdreg $0x60  }
0xae: {  	[dreg:$0x2] =	wrdreg s24  }
0xaf: {  	[dreg:$0x3] =	wrdreg s2  }
0xb0: {  	[dreg:$0x4] =	wrdreg $0xA5000  }
0xb1: {  	[dreg:$0x5] =	wrdreg $0x9  }
0xb2: {  	_ =	task.clear_ibuf [dreg:s7], $0x6FFFF;
	_ =	strace $0x90000046  }
0xb3: {  	s29 =	simm.s32 $0x9;
	_ =	strace $0x80000048  }
0xb4: {  	_ =	swait.ge [sflag:s29], $0x1  }
0xb5: {  	[sflag:s29] =	ssyncadd.s32 $0xFFFFFFFF  }
0xb6: {  	_ =	strace $0x90000048  }
0xb7: {  	_ =	sfence  }
0xb8: {  	s30 =	sld [smem:$0x0];
	_ =	sdelay $0x2  }
0xb9: {  	s31 =	sshll.u32 s1, $0xD;
	s1 =	sshrl.u32 s1, $0x2  }
0xba: {  	s3 =	sand.u32 $0x4000, s31;
	s1 =	sadd.s32 s1, s30  }
0xbb: {  	s0 =	sor.u32 s3, s0;
	s1 =	sshll.u32 s1, $0x11  }
0xbc: {  	s0 =	sor.u32 s1, s0  }
0xbd: {  	s0 =	sadd.s32 $0x8F2B, s0  }
0xbe: {  	[sflag:s0] =	ssyncadd.remote.s32 $0x1  }
0xbf: {  	_ =	sfence.sel $0xFFFF  }
0xc0: {  	[dreg:$0x0] =	wrdreg $0xFFFFFFFF;
	(pc) =	sbr.abs _section_cstart, $3  }
0xc1: {  	[dreg:$0x1] =	wrdreg $0xFFFFFFFF  }
0xc2: {  	_ =	task.clear_ibuf [dreg:s7], $0x2FFFF;
	_ =	strace $0x9FFFFFFF  }
0xc3: {  	(tm) =	ssettm $0x7FFFFFFF  }
tec
execute0_lowered:
.L_overlay_start_1:
0x0: {  	(tag) =	ssettag $0x1  }
0x1: {  	s5 =	rddreg [dreg:$0x0]  }
0x2: {  	s21 =	rddreg [dreg:$0x1]  }
0x3: {  	s2 =	rddreg [dreg:$0x2]  }
0x4: {  	s0 =	rddreg [dreg:$0x3]  }
0x5: {  	s3 =	simm.s32 $0x0;
	s4 =	srdreg.scid;
	s1 =	stileid.u32  }
0x6: {  	[smem:$0x7FF] =	sst s3;
	s24 =	sand.u32 $0x1, s4;
	s6 =	smul.u32 $0x29000, s1  }
0x7: {  	s18 =	sadd.s32 $0x1200, s5;
	s4 =	sadd.s32 $0x1000, s5;
	s20 =	sadd.s32 $0x33200, s5  }
0x8: {  	s31 =	sshll.u32 s1, $0xB;
	s11 =	sor.u32 $0x30, s1;
	s12 =	sor.u32 $0x40, s1  }
0x9: {  	s13 =	sor.u32 $0x50, s1;
	s17 =	sor.u32 $0x60, s1;
	s23 =	smul.u32 $0x1480, s1  }
0xa: {  	_ =	strace $0x80000047;
	s7 =	ssub.s32 $0x2, s24;
	s14 =	sshll.u32 s11, $0xB  }
0xb: {  	s15 =	sshll.u32 s12, $0xB;
	s16 =	sshll.u32 s13, $0xB;
	s19 =	sshll.u32 s17, $0xB  }
0xc: {  	p0 =	seq.s32 s24, $0x1;
	p1 =	seq.s32 s24, $0x0;
	s8 =	sshrl.u32 s7, $0x1  }
0xd: {  	s6 =	sshrl.u32 s6, $0x2;
	s14 =	sadd.s32 s18, s14;
	s15 =	sadd.s32 s18, s15  }
0xe: {  	s16 =	sadd.s32 s18, s16;
	s21 =	smov.u32 @p0 s20;
	p0 =	sgt.u32 s1, $0x3  }
0xf: {  	s22 =	ssub.s32 s7, s8;
	s5 =	sadd.s32 s6, s2;
	s6 =	sor.u32 $0x10, s1  }
0x10: {  	s7 =	sor.u32 $0x20, s1;
	s8 =	sadd.s32 s18, s31;
	s21 =	sadd.s32 s21, s23  }
0x11: {  	s23 =	simm.s32 $0x1;
	p2 =	seq.s32 @!p0 s24, $0x0;
	s9 =	sshll.u32 s6, $0xB  }
0x12: {  	s10 =	sshll.u32 s7, $0xB;
	s20 =	smax.u32 s22, $0x1;
	s22 =	simm.s32 $0xA480  }
0x13: {  	p2 =	por !p2, p0;
	s9 =	sadd.s32 s18, s9;
	s10 =	sadd.s32 s18, s10  }
0x14: {  	v0 =	vimm.f32 $0.0e+00;
	s18 =	sadd.s32 s18, s19;
	s19 =	smul.u32 $0xFFFFEC80, s24;
	s24 =	simm.s32 $0x0  }
.LBB2_1:
0x15: {  	[tilespmem:s22], [sflag:$0x1] =	stream.linear.gather [hbm4b:s4+s3], $0x80, $0x38;
	[tilespmem:$0x14900] =	vst v63  }
0x16: {  	_ =	swait.ge [sflag:s23], $0x80  }
0x17: {  	[sflag:s23] =	ssyncset.done $0x0  }
0x18: {  	s25 =	simm.s32 $0x0;
	s26 =	simm.s32 $0x200;
	[sflag:s23] =	ssyncadd.s32 $0xFFFFFF80  }
.LBB2_2:
0x19: {  	p3 =	sne.s32 s26, $0x28E00;
	[tilespmem:s25+$0x70] =	vst v0  }
0x1a: {  	[tilespmem:s25+$0x0] =	vst v0  }
0x1b: {  	[tilespmem:s25+$0x10] =	vst v0  }
.Ltmp0:
0x1c: {  	[tilespmem:s25+$0x20] =	vst v0;
	(pc) =	sbr.rel @p3 .LBB2_2-.Ltmp0, $4  }
0x1d: {  	[tilespmem:s25+$0x30] =	vst v0  }
0x1e: {  	[tilespmem:s25+$0x40] =	vst v0  }
0x1f: {  	[tilespmem:s25+$0x50] =	vst v0  }
0x20: {  	[tilespmem:s25+$0x60] =	vst v0;
	s25 =	sshra.s32 s26, $0x2;
	s26 =	sadd.s32 $0x200, s26  }
0x21: {  	[tilespmem:s25+$0x70] =	vst v0  }
0x22: {  	[tilespmem:s25+$0x0] =	vst v0  }
0x23: {  	[tilespmem:s25+$0x10] =	vst v0  }
0x24: {  	[tilespmem:s25+$0x20] =	vst v0  }
0x25: {  	[tilespmem:s25+$0x30] =	vst v0  }
0x26: {  	[tilespmem:s25+$0x40] =	vst v0  }
0x27: {  	[tilespmem:s25+$0x50] =	vst v0  }
0x28: {  	[tilespmem:s25+$0x60] =	vst v0  }
0x29: {  	[spmem:s5] =	stream.linear.scatter [tilespmem:s3], [sflag:$0x1], $0xA400, $0x38;
	[tilespmem:$0x14900] =	vst v63  }
0x2a: {  	_ =	swait.ge [sflag:s23], $0xA400  }
0x2b: {  	[sflag:s23] =	ssyncset.done $0x0  }
0x2c: {  	[sflag:s23] =	ssyncadd.s32 $0xFFFF5C00  }
0x2d: {  	[bflag:$0x0] =	sbarrier.arrive $0xFFFF  }
0x2e: {  	v1 =	vld [tilespmem:s1+$0xA480];
	_ =	sdelay $0x4  }
0x2f: {  	(v2sf) =	vpush v1, $0x0;
	_ =	sdelay $0xe  }
0x30: {  	s26 =	spop (v2sf)  }
0x31: {  	s25 =	simm.s32 $0x1;
	s28 =	simm.s32 $0x1;
	p3 =	sgt.s32 s26, $0x137F  }
0x32: {  	s25 =	simm.s32 @!p1 $0x0;
	s28 =	simm.s32 @!p3 $0x0  }
0x33: {  	p3 =	seq.s32 s25, s28  }
0x34: {  	s28 =	simm.s32 @!p3 $0x0;
	s29 =	simm.s32 @!p3 $0x1  }
0x35: {  	[tilespmem:s28], [sflag:$0x1] =	stream.linear.gather @!p3 [hbm4b:s8+s28], $0x4000, $0x38;
	[tilespmem:$0x14900] =	vst v63  }
0x36: {  	_ =	swait.ge @!p3 [sflag:s29], $0x4000  }
0x37: {  	s26 =	sadd.s32 @!p3 s19, s26;
	v1 =	vlaneseq.u32 @!p3;
	[sflag:s29] =	ssyncset.done @!p3 $0x0  }
0x38: {  	v2 =	vadd.s32 @!p3 s26, v1;
	s30 =	sadd.s32 @!p3 $0x10, s26;
	[sflag:s29] =	ssyncadd.s32 @!p3 $0xFFFFC000  }
0x39: {  	[tilespmem:$0xA400] =	vst @!p3 v2;
	v2 =	vadd.s32 @!p3 s30, v1;
	s30 =	sadd.s32 @!p3 $0x20, s26  }
0x3a: {  	[tilespmem:$0xA410] =	vst @!p3 v2;
	v2 =	vadd.s32 @!p3 s30, v1;
	s30 =	sadd.s32 @!p3 $0x30, s26  }
0x3b: {  	[tilespmem:$0xA420] =	vst @!p3 v2;
	v2 =	vadd.s32 @!p3 s30, v1;
	s30 =	sadd.s32 @!p3 $0x40, s26  }
0x3c: {  	[tilespmem:$0xA430] =	vst @!p3 v2;
	v2 =	vadd.s32 @!p3 s30, v1;
	s30 =	sadd.s32 @!p3 $0x50, s26  }
0x3d: {  	[tilespmem:$0xA440] =	vst @!p3 v2;
	v2 =	vadd.s32 @!p3 s30, v1;
	s30 =	sadd.s32 @!p3 $0x60, s26  }
0x3e: {  	s26 =	sadd.s32 @!p3 $0x70, s26;
	[tilespmem:$0xA450] =	vst @!p3 v2;
	v2 =	vadd.s32 @!p3 s30, v1  }
0x3f: {  	v1 =	vadd.s32 @!p3 s26, v1;
	[tilespmem:$0xA460] =	vst @!p3 v2  }
0x40: {  	s26 =	simm.s32 @!p3 $0x80;
	s30 =	simm.s32 @!p3 $0xA400;
	[tilespmem:$0xA470] =	vst @!p3 v1  }
0x41: {  	[spmem:s2] =	stream.indirect.scatter.add.f32 @!p3 [tilespmem:s28], [sflag:$0x1], $0x80, s30, s26, $0xb8;
	[tilespmem:$0x14900] =	vst v63  }
0x42: {  	_ =	swait.ge @!p3 [sflag:s29], $0x4000  }
0x43: {  	[sflag:s29] =	ssyncset.done @!p3 $0x0  }
0x44: {  	[sflag:s29] =	ssyncadd.s32 @!p3 $0xFFFFC000  }
0x45: {  	v1 =	vld [tilespmem:s6+$0xA480];
	_ =	sdelay $0x4  }
0x46: {  	(v2sf) =	vpush v1, $0x0;
	_ =	sdelay $0xe  }
0x47: {  	s26 =	spop (v2sf)  }
0x48: {  	s28 =	simm.s32 $0x1;
	p3 =	sgt.s32 s26, $0x137F  }
0x49: {  	s28 =	simm.s32 @!p3 $0x0  }
0x4a: {  	p3 =	seq.s32 s25, s28  }
0x4b: {  	s28 =	simm.s32 @!p3 $0x0;
	s29 =	simm.s32 @!p3 $0x1  }
0x4c: {  	[tilespmem:s28], [sflag:$0x1] =	stream.linear.gather @!p3 [hbm4b:s9+s28], $0x4000, $0x38;
	[tilespmem:$0x14900] =	vst v63  }
0x4d: {  	_ =	swait.ge @!p3 [sflag:s29], $0x4000  }
0x4e: {  	s26 =	sadd.s32 @!p3 s19, s26;
	v1 =	vlaneseq.u32 @!p3;
	[sflag:s29] =	ssyncset.done @!p3 $0x0  }
0x4f: {  	v2 =	vadd.s32 @!p3 s26, v1;
	s30 =	sadd.s32 @!p3 $0x10, s26;
	[sflag:s29] =	ssyncadd.s32 @!p3 $0xFFFFC000  }
0x50: {  	[tilespmem:$0xA400] =	vst @!p3 v2;
	v2 =	vadd.s32 @!p3 s30, v1;
	s30 =	sadd.s32 @!p3 $0x20, s26  }
0x51: {  	[tilespmem:$0xA410] =	vst @!p3 v2;
	v2 =	vadd.s32 @!p3 s30, v1;
	s30 =	sadd.s32 @!p3 $0x30, s26  }
0x52: {  	[tilespmem:$0xA420] =	vst @!p3 v2;
	v2 =	vadd.s32 @!p3 s30, v1;
	s30 =	sadd.s32 @!p3 $0x40, s26  }
0x53: {  	[tilespmem:$0xA430] =	vst @!p3 v2;
	v2 =	vadd.s32 @!p3 s30, v1;
	s30 =	sadd.s32 @!p3 $0x50, s26  }
0x54: {  	[tilespmem:$0xA440] =	vst @!p3 v2;
	v2 =	vadd.s32 @!p3 s30, v1;
	s30 =	sadd.s32 @!p3 $0x60, s26  }
0x55: {  	s26 =	sadd.s32 @!p3 $0x70, s26;
	[tilespmem:$0xA450] =	vst @!p3 v2;
	v2 =	vadd.s32 @!p3 s30, v1  }
0x56: {  	v1 =	vadd.s32 @!p3 s26, v1;
	[tilespmem:$0xA460] =	vst @!p3 v2  }
0x57: {  	s26 =	simm.s32 @!p3 $0x80;
	s30 =	simm.s32 @!p3 $0xA400;
	[tilespmem:$0xA470] =	vst @!p3 v1  }
0x58: {  	[spmem:s2] =	stream.indirect.scatter.add.f32 @!p3 [tilespmem:s28], [sflag:$0x1], $0x80, s30, s26, $0xb8;
	[tilespmem:$0x14900] =	vst v63  }
0x59: {  	_ =	swait.ge @!p3 [sflag:s29], $0x4000  }
0x5a: {  	[sflag:s29] =	ssyncset.done @!p3 $0x0  }
0x5b: {  	[sflag:s29] =	ssyncadd.s32 @!p3 $0xFFFFC000  }
0x5c: {  	v1 =	vld [tilespmem:s7+$0xA480];
	_ =	sdelay $0x4  }
0x5d: {  	(v2sf) =	vpush v1, $0x0;
	_ =	sdelay $0xe  }
0x5e: {  	s26 =	spop (v2sf)  }
0x5f: {  	s28 =	simm.s32 $0x1;
	p3 =	sgt.s32 s26, $0x137F  }
0x60: {  	s28 =	simm.s32 @!p3 $0x0  }
0x61: {  	p3 =	seq.s32 s25, s28  }
0x62: {  	s28 =	simm.s32 @!p3 $0x0;
	s29 =	simm.s32 @!p3 $0x1  }
0x63: {  	[tilespmem:s28], [sflag:$0x1] =	stream.linear.gather @!p3 [hbm4b:s10+s28], $0x4000, $0x38;
	[tilespmem:$0x14900] =	vst v63  }
0x64: {  	_ =	swait.ge @!p3 [sflag:s29], $0x4000  }
0x65: {  	s26 =	sadd.s32 @!p3 s19, s26;
	v1 =	vlaneseq.u32 @!p3;
	[sflag:s29] =	ssyncset.done @!p3 $0x0  }
0x66: {  	v2 =	vadd.s32 @!p3 s26, v1;
	s30 =	sadd.s32 @!p3 $0x10, s26;
	[sflag:s29] =	ssyncadd.s32 @!p3 $0xFFFFC000  }
0x67: {  	[tilespmem:$0xA400] =	vst @!p3 v2;
	v2 =	vadd.s32 @!p3 s30, v1;
	s30 =	sadd.s32 @!p3 $0x20, s26  }
0x68: {  	[tilespmem:$0xA410] =	vst @!p3 v2;
	v2 =	vadd.s32 @!p3 s30, v1;
	s30 =	sadd.s32 @!p3 $0x30, s26  }
0x69: {  	[tilespmem:$0xA420] =	vst @!p3 v2;
	v2 =	vadd.s32 @!p3 s30, v1;
	s30 =	sadd.s32 @!p3 $0x40, s26  }
0x6a: {  	[tilespmem:$0xA430] =	vst @!p3 v2;
	v2 =	vadd.s32 @!p3 s30, v1;
	s30 =	sadd.s32 @!p3 $0x50, s26  }
0x6b: {  	[tilespmem:$0xA440] =	vst @!p3 v2;
	v2 =	vadd.s32 @!p3 s30, v1;
	s30 =	sadd.s32 @!p3 $0x60, s26  }
0x6c: {  	s26 =	sadd.s32 @!p3 $0x70, s26;
	[tilespmem:$0xA450] =	vst @!p3 v2;
	v2 =	vadd.s32 @!p3 s30, v1  }
0x6d: {  	v1 =	vadd.s32 @!p3 s26, v1;
	[tilespmem:$0xA460] =	vst @!p3 v2  }
0x6e: {  	s26 =	simm.s32 @!p3 $0x80;
	s30 =	simm.s32 @!p3 $0xA400;
	[tilespmem:$0xA470] =	vst @!p3 v1  }
0x6f: {  	[spmem:s2] =	stream.indirect.scatter.add.f32 @!p3 [tilespmem:s28], [sflag:$0x1], $0x80, s30, s26, $0xb8;
	[tilespmem:$0x14900] =	vst v63  }
0x70: {  	_ =	swait.ge @!p3 [sflag:s29], $0x4000  }
0x71: {  	[sflag:s29] =	ssyncset.done @!p3 $0x0  }
0x72: {  	[sflag:s29] =	ssyncadd.s32 @!p3 $0xFFFFC000  }
0x73: {  	v1 =	vld [tilespmem:s11+$0xA480];
	_ =	sdelay $0x4  }
0x74: {  	(v2sf) =	vpush v1, $0x0;
	_ =	sdelay $0xe  }
0x75: {  	s26 =	spop (v2sf)  }
0x76: {  	s28 =	simm.s32 $0x1;
	p3 =	sgt.s32 s26, $0x137F  }
0x77: {  	s28 =	simm.s32 @!p3 $0x0  }
0x78: {  	p3 =	seq.s32 s25, s28  }
0x79: {  	s28 =	simm.s32 @!p3 $0x0;
	s29 =	simm.s32 @!p3 $0x1  }
0x7a: {  	[tilespmem:s28], [sflag:$0x1] =	stream.linear.gather @!p3 [hbm4b:s14+s28], $0x4000, $0x38;
	[tilespmem:$0x14900] =	vst v63  }
0x7b: {  	_ =	swait.ge @!p3 [sflag:s29], $0x4000  }
0x7c: {  	s26 =	sadd.s32 @!p3 s19, s26;
	v1 =	vlaneseq.u32 @!p3;
	[sflag:s29] =	ssyncset.done @!p3 $0x0  }
0x7d: {  	v2 =	vadd.s32 @!p3 s26, v1;
	s30 =	sadd.s32 @!p3 $0x10, s26;
	[sflag:s29] =	ssyncadd.s32 @!p3 $0xFFFFC000  }
0x7e: {  	[tilespmem:$0xA400] =	vst @!p3 v2;
	v2 =	vadd.s32 @!p3 s30, v1;
	s30 =	sadd.s32 @!p3 $0x20, s26  }
0x7f: {  	[tilespmem:$0xA410] =	vst @!p3 v2;
	v2 =	vadd.s32 @!p3 s30, v1;
	s30 =	sadd.s32 @!p3 $0x30, s26  }
0x80: {  	[tilespmem:$0xA420] =	vst @!p3 v2;
	v2 =	vadd.s32 @!p3 s30, v1;
	s30 =	sadd.s32 @!p3 $0x40, s26  }
0x81: {  	[tilespmem:$0xA430] =	vst @!p3 v2;
	v2 =	vadd.s32 @!p3 s30, v1;
	s30 =	sadd.s32 @!p3 $0x50, s26  }
0x82: {  	[tilespmem:$0xA440] =	vst @!p3 v2;
	v2 =	vadd.s32 @!p3 s30, v1;
	s30 =	sadd.s32 @!p3 $0x60, s26  }
0x83: {  	s26 =	sadd.s32 @!p3 $0x70, s26;
	[tilespmem:$0xA450] =	vst @!p3 v2;
	v2 =	vadd.s32 @!p3 s30, v1  }
0x84: {  	v1 =	vadd.s32 @!p3 s26, v1;
	[tilespmem:$0xA460] =	vst @!p3 v2  }
0x85: {  	s26 =	simm.s32 @!p3 $0x80;
	s30 =	simm.s32 @!p3 $0xA400;
	[tilespmem:$0xA470] =	vst @!p3 v1  }
0x86: {  	[spmem:s2] =	stream.indirect.scatter.add.f32 @!p3 [tilespmem:s28], [sflag:$0x1], $0x80, s30, s26, $0xb8;
	[tilespmem:$0x14900] =	vst v63  }
0x87: {  	_ =	swait.ge @!p3 [sflag:s29], $0x4000  }
0x88: {  	[sflag:s29] =	ssyncset.done @!p3 $0x0  }
0x89: {  	[sflag:s29] =	ssyncadd.s32 @!p3 $0xFFFFC000  }
0x8a: {  	v1 =	vld [tilespmem:s12+$0xA480];
	_ =	sdelay $0x4  }
0x8b: {  	(v2sf) =	vpush v1, $0x0;
	_ =	sdelay $0xe  }
0x8c: {  	s26 =	spop (v2sf)  }
0x8d: {  	s28 =	simm.s32 $0x1;
	p3 =	sgt.s32 s26, $0x137F  }
0x8e: {  	s28 =	simm.s32 @!p3 $0x0  }
0x8f: {  	p3 =	seq.s32 s25, s28  }
0x90: {  	s28 =	simm.s32 @!p3 $0x0;
	s29 =	simm.s32 @!p3 $0x1  }
0x91: {  	[tilespmem:s28], [sflag:$0x1] =	stream.linear.gather @!p3 [hbm4b:s15+s28], $0x4000, $0x38;
	[tilespmem:$0x14900] =	vst v63  }
0x92: {  	_ =	swait.ge @!p3 [sflag:s29], $0x4000  }
0x93: {  	s26 =	sadd.s32 @!p3 s19, s26;
	v1 =	vlaneseq.u32 @!p3;
	[sflag:s29] =	ssyncset.done @!p3 $0x0  }
0x94: {  	v2 =	vadd.s32 @!p3 s26, v1;
	s30 =	sadd.s32 @!p3 $0x10, s26;
	[sflag:s29] =	ssyncadd.s32 @!p3 $0xFFFFC000  }
0x95: {  	[tilespmem:$0xA400] =	vst @!p3 v2;
	v2 =	vadd.s32 @!p3 s30, v1;
	s30 =	sadd.s32 @!p3 $0x20, s26  }
0x96: {  	[tilespmem:$0xA410] =	vst @!p3 v2;
	v2 =	vadd.s32 @!p3 s30, v1;
	s30 =	sadd.s32 @!p3 $0x30, s26  }
0x97: {  	[tilespmem:$0xA420] =	vst @!p3 v2;
	v2 =	vadd.s32 @!p3 s30, v1;
	s30 =	sadd.s32 @!p3 $0x40, s26  }
0x98: {  	[tilespmem:$0xA430] =	vst @!p3 v2;
	v2 =	vadd.s32 @!p3 s30, v1;
	s30 =	sadd.s32 @!p3 $0x50, s26  }
0x99: {  	[tilespmem:$0xA440] =	vst @!p3 v2;
	v2 =	vadd.s32 @!p3 s30, v1;
	s30 =	sadd.s32 @!p3 $0x60, s26  }
0x9a: {  	s26 =	sadd.s32 @!p3 $0x70, s26;
	[tilespmem:$0xA450] =	vst @!p3 v2;
	v2 =	vadd.s32 @!p3 s30, v1  }
0x9b: {  	v1 =	vadd.s32 @!p3 s26, v1;
	[tilespmem:$0xA460] =	vst @!p3 v2  }
0x9c: {  	s26 =	simm.s32 @!p3 $0x80;
	s30 =	simm.s32 @!p3 $0xA400;
	[tilespmem:$0xA470] =	vst @!p3 v1  }
0x9d: {  	[spmem:s2] =	stream.indirect.scatter.add.f32 @!p3 [tilespmem:s28], [sflag:$0x1], $0x80, s30, s26, $0xb8;
	[tilespmem:$0x14900] =	vst v63  }
0x9e: {  	_ =	swait.ge @!p3 [sflag:s29], $0x4000  }
0x9f: {  	[sflag:s29] =	ssyncset.done @!p3 $0x0  }
0xa0: {  	[sflag:s29] =	ssyncadd.s32 @!p3 $0xFFFFC000  }
0xa1: {  	v1 =	vld [tilespmem:s13+$0xA480];
	_ =	sdelay $0x4  }
0xa2: {  	(v2sf) =	vpush v1, $0x0;
	_ =	sdelay $0xe  }
0xa3: {  	s26 =	spop (v2sf)  }
0xa4: {  	s28 =	simm.s32 $0x1;
	p3 =	sgt.s32 s26, $0x137F  }
0xa5: {  	s28 =	simm.s32 @!p3 $0x0  }
0xa6: {  	p3 =	seq.s32 s25, s28  }
0xa7: {  	s25 =	simm.s32 @!p3 $0x0;
	s28 =	simm.s32 @!p3 $0x1  }
0xa8: {  	[tilespmem:s25], [sflag:$0x1] =	stream.linear.gather @!p3 [hbm4b:s16+s25], $0x4000, $0x38;
	[tilespmem:$0x14900] =	vst v63  }
0xa9: {  	_ =	swait.ge @!p3 [sflag:s28], $0x4000  }
0xaa: {  	s26 =	sadd.s32 @!p3 s19, s26;
	v1 =	vlaneseq.u32 @!p3;
	[sflag:s28] =	ssyncset.done @!p3 $0x0  }
0xab: {  	v2 =	vadd.s32 @!p3 s26, v1;
	s29 =	sadd.s32 @!p3 $0x10, s26;
	[sflag:s28] =	ssyncadd.s32 @!p3 $0xFFFFC000  }
0xac: {  	[tilespmem:$0xA400] =	vst @!p3 v2;
	v2 =	vadd.s32 @!p3 s29, v1;
	s29 =	sadd.s32 @!p3 $0x20, s26  }
0xad: {  	[tilespmem:$0xA410] =	vst @!p3 v2;
	v2 =	vadd.s32 @!p3 s29, v1;
	s29 =	sadd.s32 @!p3 $0x30, s26  }
0xae: {  	[tilespmem:$0xA420] =	vst @!p3 v2;
	v2 =	vadd.s32 @!p3 s29, v1;
	s29 =	sadd.s32 @!p3 $0x40, s26  }
0xaf: {  	[tilespmem:$0xA430] =	vst @!p3 v2;
	v2 =	vadd.s32 @!p3 s29, v1;
	s29 =	sadd.s32 @!p3 $0x50, s26  }
0xb0: {  	[tilespmem:$0xA440] =	vst @!p3 v2;
	v2 =	vadd.s32 @!p3 s29, v1;
	s29 =	sadd.s32 @!p3 $0x60, s26  }
0xb1: {  	s26 =	sadd.s32 @!p3 $0x70, s26;
	[tilespmem:$0xA450] =	vst @!p3 v2;
	v2 =	vadd.s32 @!p3 s29, v1  }
0xb2: {  	v1 =	vadd.s32 @!p3 s26, v1;
	[tilespmem:$0xA460] =	vst @!p3 v2  }
0xb3: {  	s26 =	simm.s32 @!p3 $0x80;
	s29 =	simm.s32 @!p3 $0xA400;
	[tilespmem:$0xA470] =	vst @!p3 v1  }
0xb4: {  	[spmem:s2] =	stream.indirect.scatter.add.f32 @!p3 [tilespmem:s25], [sflag:$0x1], $0x80, s29, s26, $0xb8;
	[tilespmem:$0x14900] =	vst v63  }
0xb5: {  	_ =	swait.ge @!p3 [sflag:s28], $0x4000  }
0xb6: {  	[sflag:s28] =	ssyncset.done @!p3 $0x0  }
0xb7: {  	[sflag:s28] =	ssyncadd.s32 @!p3 $0xFFFFC000  }
0xb8: {  	v1 =	vld @!p0 [tilespmem:s17+$0xA480];
	_ =	sdelay $0x4  }
0xb9: {  	(v2sf) =	vpush @!p0 v1, $0x0;
	_ =	sdelay $0xe  }
0xba: {  	s25 =	spop @!p0 (v2sf)  }
0xbb: {  	p3 =	sgt.s32 @!p0 s25, $0x137F  }
0xbc: {  	s26 =	simm.s32 @!p0 $0x1;
	s28 =	simm.s32 @!p0 $0x1;
	p3 =	por !p3, p0  }
0xbd: {  	s28 =	simm.s32 @p2 $0x0;
	s26 =	simm.s32 @p3 $0x0  }
0xbe: {  	p3 =	seq.s32 @!p0 s28, s26  }
0xbf: {  	p3 =	por p3, p0  }
0xc0: {  	s26 =	simm.s32 @!p3 $0x0;
	s28 =	simm.s32 @!p3 $0x1  }
0xc1: {  	[tilespmem:s26], [sflag:$0x1] =	stream.linear.gather @!p3 [hbm4b:s18+s26], $0x4000, $0x38;
	[tilespmem:$0x14900] =	vst v63  }
0xc2: {  	_ =	swait.ge @!p3 [sflag:s28], $0x4000  }
0xc3: {  	s25 =	sadd.s32 @!p3 s19, s25;
	v1 =	vlaneseq.u32 @!p3;
	[sflag:s28] =	ssyncset.done @!p3 $0x0  }
0xc4: {  	v2 =	vadd.s32 @!p3 s25, v1;
	s29 =	sadd.s32 @!p3 $0x10, s25;
	[sflag:s28] =	ssyncadd.s32 @!p3 $0xFFFFC000  }
0xc5: {  	[tilespmem:$0xA400] =	vst @!p3 v2;
	v2 =	vadd.s32 @!p3 s29, v1;
	s29 =	sadd.s32 @!p3 $0x20, s25  }
0xc6: {  	[tilespmem:$0xA410] =	vst @!p3 v2;
	v2 =	vadd.s32 @!p3 s29, v1;
	s29 =	sadd.s32 @!p3 $0x30, s25  }
0xc7: {  	[tilespmem:$0xA420] =	vst @!p3 v2;
	v2 =	vadd.s32 @!p3 s29, v1;
	s29 =	sadd.s32 @!p3 $0x40, s25  }
0xc8: {  	[tilespmem:$0xA430] =	vst @!p3 v2;
	v2 =	vadd.s32 @!p3 s29, v1;
	s29 =	sadd.s32 @!p3 $0x50, s25  }
0xc9: {  	[tilespmem:$0xA440] =	vst @!p3 v2;
	v2 =	vadd.s32 @!p3 s29, v1;
	s29 =	sadd.s32 @!p3 $0x60, s25  }
0xca: {  	s25 =	sadd.s32 @!p3 $0x70, s25;
	[tilespmem:$0xA450] =	vst @!p3 v2;
	v2 =	vadd.s32 @!p3 s29, v1  }
0xcb: {  	v1 =	vadd.s32 @!p3 s25, v1;
	[tilespmem:$0xA460] =	vst @!p3 v2  }
0xcc: {  	s25 =	simm.s32 @!p3 $0x80;
	s29 =	simm.s32 @!p3 $0xA400;
	[tilespmem:$0xA470] =	vst @!p3 v1  }
0xcd: {  	[spmem:s2] =	stream.indirect.scatter.add.f32 @!p3 [tilespmem:s26], [sflag:$0x1], $0x80, s29, s25, $0xb8;
	[tilespmem:$0x14900] =	vst v63  }
0xce: {  	_ =	swait.ge @!p3 [sflag:s28], $0x4000  }
0xcf: {  	s31 =	sshrl.u32 s5, $0x3;
	s24 =	sadd.s32 $0x1, s24;
	[sflag:s28] =	ssyncset.done @!p3 $0x0  }
0xd0: {  	s30 =	sshll.u32 s1, $0x6;
	[sflag:s28] =	ssyncadd.s32 @!p3 $0xFFFFC000;
	p3 =	sne.s32 s24, s20  }
.Ltmp1:
0xd1: {  	s25 =	sor.u32 $0x1C01, s30;
	[bflag:$0x0] =	sbarrier.arrive $0xFFFF;
	(pc) =	sbr.rel @p3 .LBB2_1-.Ltmp1, $4  }
0xd2: {  	[hbm:s21], [sflag:s25] =	dma.local [spmem:s31], $0x1480  }
0xd3: {  	_ =	swait.ge [sflag:s23], $0x1480  }
0xd4: {  	[sflag:s23] =	ssyncset.done $0x0  }
0xd5: {  	[sflag:s23] =	ssyncadd.s32 $0xFFFFEB80  }
0xd6: {  	_ =	sfence.sel $0x180000  }
0xd7: {  	[bflag:$0x0] =	sbarrier.arrive $0xFFFF  }
0xd8: {  	p0 =	sne.s32 s1, $0x0;
	_ =	strace $0x90000047  }
0xd9: {  	s0 =	sadd.s32 @!p0 $0x100000, s0;
	[bflag:$0x2] =	sbarrier.arrive $0xFFFF  }
0xda: {  	[sflag:s0] =	ssyncadd.tile.s32 @!p0 $0x1;
	_ =	shalt  }
.Lfunc_end2:
_tile_overlayer_lowered:
.L_overlay_start_2:
0xdb: {  	(tag) =	ssettag $0x2  }
0xdc: {  	s0 =	rddreg [dreg:$0x0];
	s2 =	stileid.u32  }
0xdd: {  	s1 =	rddreg [dreg:$0x1];
	p0 =	sne.s32 s2, $0x0  }
0xde: {  	s3 =	rddreg [dreg:$0x2];
	[bflag:$0x3] =	sbarrier.arrive $0xFFFF;
	s2 =	simm.s32 @!p0 $0x1C01  }
0xdf: {  	[timem:s3], [sflag:s2] =	dma.local @!p0 [hbm:s0], s1  }
0xe0: {  	s0 =	simm.s32 @!p0 $0x1  }
0xe1: {  	_ =	swait.ge @!p0 [sflag:s0], s1  }
0xe2: {  	s1 =	ssub.s32 @!p0 $0x0, s1;
	[sflag:s0] =	ssyncset.done @!p0 $0x0  }
0xe3: {  	[sflag:s0] =	ssyncadd.s32 @!p0 s1  }
0xe4: {  	[bflag:$0x3] =	sbarrier.arrive $0xFFFF  }
0xe5: {  	_ =	shalt  }

</sc_bundles>
